<compile_context>
chip_gen: v7x
topology: tpu7x:2x2x1
jax: 0.10.2.dev20260603
libtpu: 0.0.44.dev20260713+nightly
codegen_flags: <defaults>
</compile_context>

<pallas_src>
import functools

import jax
import jax.numpy as jnp
from jax import lax
from jax.experimental import pallas as pl
from jax.experimental.pallas import tpu as pltpu
from jax.experimental.pallas import tpu_sc as plsc

N_FIELDS = 26
VOCAB = 100000
EMBED_DIM = 32
BATCH = 16384

NC = 2
NS = 16
L = 16
NW = NC * NS

GCHUNK = 128

VB = 16384
NVB = (VOCAB + VB - 1) // VB
FQ = 4
NQ = (N_FIELDS + FQ - 1) // FQ
QW = FQ * EMBED_DIM


def _tc_detile(tab_t2, q0, nq):

    def body(i_ref, o_ref):
        o_ref[0] = i_ref[...].T

    return pl.pallas_call(
        body,
        grid=(nq, NVB),
        in_specs=[
            pl.BlockSpec((QW, VB), lambda q, k: (q0 + q, k)),
        ],
        out_specs=pl.BlockSpec((1, VB, QW), lambda q, k: (q, k, 0)),
        out_shape=jax.ShapeDtypeStruct((nq, VOCAB, QW), jnp.float32),
    )(tab_t2)


BPW = BATCH // NW
NBC = BPW // GCHUNK


def _sc_gather(idx_t, table2d, nf):
    mesh = plsc.VectorSubcoreMesh(core_axis_name="c", subcore_axis_name="s")

    @functools.partial(
        pl.kernel,
        out_type=jax.ShapeDtypeStruct((nf * BATCH, EMBED_DIM), jnp.float32),
        mesh=mesh,
        scratch_types=[
            pltpu.VMEM((nf, BPW), jnp.int32),
            pltpu.VMEM((BPW, EMBED_DIM), jnp.float32),
            pltpu.SemaphoreType.DMA,
        ],
        compiler_params=pltpu.CompilerParams(use_tc_tiling_on_sc=False),
    )
    def k(idx_hbm, table_hbm, out_hbm, idx_v, rows_v, sem):
        wid = lax.axis_index("s") * NC + lax.axis_index("c")
        b0 = wid * BPW

        pltpu.sync_copy(idx_hbm.at[:, pl.ds(b0, BPW)], idx_v)

        def field(f, carry):
            off = lax.div(f, FQ) * (FQ * VOCAB) + lax.rem(f, FQ)

            def fix(i, c):
                sl = pl.ds(i * L, L)
                idx_v[f, sl] = idx_v[f, sl] * FQ + off
                return c

            lax.fori_loop(0, BPW // L, fix, 0)

            copies = []
            for g in range(NBC):
                src = table_hbm.at[idx_v.at[f, pl.ds(g * GCHUNK, GCHUNK)]]
                dst = rows_v.at[pl.ds(g * GCHUNK, GCHUNK), :]
                copies.append(pltpu.async_copy(src, dst, sem))
            for cp in copies:
                cp.wait()
            pltpu.sync_copy(
                rows_v, out_hbm.at[pl.ds(f * BATCH + b0, BPW), :]
            )
            return carry

        lax.fori_loop(0, nf, field, 0)

    return k(idx_t, table2d)


FSPLIT = 16


def kernel(sparse_inputs, tables):
    idx_t = sparse_inputs.astype(jnp.int32).T
    tab_t2 = jnp.transpose(tables, (0, 2, 1)).reshape(
        N_FIELDS * EMBED_DIM, VOCAB
    )
    tab_a = _tc_detile(tab_t2, 0, 4).reshape(4 * VOCAB * FQ, EMBED_DIM)
    out_a = _sc_gather(idx_t[:FSPLIT], tab_a, FSPLIT)
    tab_b = _tc_detile(tab_t2, 4, 3).reshape(3 * VOCAB * FQ, EMBED_DIM)
    out_b = _sc_gather(idx_t[FSPLIT:], tab_b, N_FIELDS - FSPLIT)
    out = jnp.concatenate(
        [
            out_a.reshape(FSPLIT, BATCH, EMBED_DIM),
            out_b.reshape(N_FIELDS - FSPLIT, BATCH, EMBED_DIM),
        ],
        axis=0,
    )
    return jnp.transpose(out, (1, 0, 2))

# --- scband reference (transcript-rebuilt; emitter-appended) ---
"""Pipeline reference for scband-em-model-90950227460495 (READ-ONLY COPY).

The authoritative reference and input builder live on the scoring server;
editing this copy changes nothing except your own understanding.
"""

import jax, jax.numpy as jnp
import numpy as np

N_FIELDS = 26
VOCAB = 100000
EMBED_DIM = 32
BATCH = 16384

def setup_inputs(seed: int = 0) -> dict:
    key = jax.random.key(seed)
    k1, k2 = jax.random.split(key)
    # 26 embedding tables, each [VOCAB, EMBED_DIM], stacked into one array
    tables = jax.random.normal(k1, (N_FIELDS, VOCAB, EMBED_DIM), dtype=jnp.float32)
    sparse_inputs = jax.random.randint(k2, (BATCH, N_FIELDS), 0, VOCAB, dtype=jnp.int64)
    return {"sparse_inputs": sparse_inputs, "tables": tables}

def reference(sparse_inputs, tables):
    # For each field i: tables[i][sparse_inputs[:, i]] -> [B, D]; stacked along dim=1 -> [B, F, D]
    field_ids = jnp.arange(tables.shape[0])[None, :]  # [1, F]
    embeddings = tables[field_ids, sparse_inputs]      # [B, F, D]
    return embeddings

if __name__ == "__main__":
    import jax
    _d = setup_inputs()
    print(jax.jit(kernel)(*tuple(_d.values())))

</pallas_src>

<mosaic_0001>
#map = affine_map<(d0, d1) -> (0, 0)>
module attributes {stable_mosaic.version = 14 : i64} {
  func.func @k(%arg0: i32, %arg1: i32, %arg2: memref<16x16384xi32, #tpu.memory_space<hbm>>, %arg3: memref<1600000x32xf32, #tpu.memory_space<hbm>>, %arg4: memref<262144x32xf32, #tpu.memory_space<hbm>>, %arg5: memref<16x512xi32, #tpu.memory_space<vmem>>, %arg6: memref<512x32xf32, #tpu.memory_space<vmem>>, %arg7: memref<!tpu.dma_semaphore, #tpu.memory_space<semaphore_mem>>) attributes {dimension_semantics = [#tpu.dimension_semantics<core_parallel>, #tpu.dimension_semantics<subcore_parallel>], iteration_bounds = array<i64: 2, 16>, scalar_prefetch = 0 : i64, scratch_operands = 3 : i64, tpu.core_type = #tpu.core_type<sc_vector_subcore>, window_params = [{transform_indices = #map}, {transform_indices = #map}, {transform_indices = #map}]} {
    %mul3A = arith.constant 2 : i32
    %mul3A_0 = arith.muli %arg1, %mul3A : i32
    %add3A = arith.addi %mul3A_0, %arg0 : i32
    %mul3A_1 = arith.constant 512 : i32
    %mul3A_2 = arith.muli %add3A, %mul3A_1 : i32
    "tpu.region"() ({
      %run_scoped3A = tpu.sem_alloc : memref<!tpu.dma_semaphore, #tpu.memory_space<semaphore_mem>>
      %dma_start3A = arith.constant 0 : i32
      %dma_start3A_8 = tpu.memref_slice %arg2[%dma_start3A, %mul3A_2] : memref<16x16384xi32, #tpu.memory_space<hbm>> -> memref<16x512xi32, #tpu.memory_space<hbm>>
      %dma_start3A_9 = arith.constant 0 : i32
      %dma_start3A_10 = tpu.memref_slice %arg2[%dma_start3A_9, %mul3A_2] : memref<16x16384xi32, #tpu.memory_space<hbm>> -> memref<16x512xi32, #tpu.memory_space<hbm>>
      tpu.enqueue_dma source(%dma_start3A_10 : memref<16x512xi32, #tpu.memory_space<hbm>>) target(%arg5 : memref<16x512xi32, #tpu.memory_space<vmem>>) target_semaphore(%run_scoped3A : memref<!tpu.dma_semaphore, #tpu.memory_space<semaphore_mem>>)
      %dma_wait3A = arith.constant 0 : i32
      %dma_wait3A_11 = tpu.memref_slice %arg2[%dma_wait3A, %mul3A_2] : memref<16x16384xi32, #tpu.memory_space<hbm>> -> memref<16x512xi32, #tpu.memory_space<hbm>>
      %dma_wait3A_12 = arith.constant 0 : i32
      %dma_wait3A_13 = tpu.memref_slice %arg2[%dma_wait3A_12, %mul3A_2] : memref<16x16384xi32, #tpu.memory_space<hbm>> -> memref<16x512xi32, #tpu.memory_space<hbm>>
      tpu.wait_dma2 semaphore(%run_scoped3A : memref<!tpu.dma_semaphore, #tpu.memory_space<semaphore_mem>>) src(%dma_wait3A_13 : memref<16x512xi32, #tpu.memory_space<hbm>>) dst(%arg5 : memref<16x512xi32, #tpu.memory_space<vmem>>)
      tpu.yield
    }) : () -> ()
    %scan3A = arith.constant 0 : i32
    %scan3A_3 = arith.constant 0 : i32
    %scan3A_4 = arith.constant 16 : i32
    %scan3A_5 = arith.addi %scan3A_3, %scan3A_4 : i32
    %scan3A_6 = arith.constant 1 : i32
    scf.for %scan3A_8 = %scan3A_3 to %scan3A_5 step %scan3A_6  : i32 {
      %div3A = arith.constant 4 : i32
      %div3A_9 = arith.divsi %scan3A_8, %div3A : i32
      %mul3A_10 = arith.constant 400000 : i32
      %mul3A_11 = arith.muli %div3A_9, %mul3A_10 : i32
      %rem3A = arith.constant 4 : i32
      %rem3A_12 = arith.remsi %scan3A_8, %rem3A : i32
      %add3A_13 = arith.addi %mul3A_11, %rem3A_12 : i32
      %scan3A_14 = arith.constant 0 : i32
      %scan3A_15 = arith.constant 0 : i32
      %scan3A_16 = arith.constant 32 : i32
      %scan3A_17 = arith.addi %scan3A_15, %scan3A_16 : i32
      %scan3A_18 = arith.constant 1 : i32
      scf.for %scan3A_93 = %scan3A_15 to %scan3A_17 step %scan3A_18  : i32 {
        %mul3A_94 = arith.constant 16 : i32
        %mul3A_95 = arith.muli %scan3A_93, %mul3A_94 : i32
        %get3A = arith.index_cast %scan3A_8 : i32 to index
        %get3A_96 = arith.index_cast %mul3A_95 : i32 to index
        %get3A_97 = tpu.vector_load %arg5[%get3A, %get3A_96] {strides = array<i32>} : memref<16x512xi32, #tpu.memory_space<vmem>>, vector<1x16xi32>,
        %get3A_98 = vector.shape_cast %get3A_97 : vector<1x16xi32> to vector<16xi32>
        %mul3A_99 = arith.constant 4 : i32
        %mul3A_100 = vector.broadcast %mul3A_99 : i32 to vector<16xi32>
        %mul3A_101 = arith.muli %get3A_98, %mul3A_100 : vector<16xi32>
        %add3A_102 = vector.broadcast %add3A_13 : i32 to vector<16xi32>
        %add3A_103 = arith.addi %mul3A_101, %add3A_102 : vector<16xi32>
        %swap3A = arith.index_cast %scan3A_8 : i32 to index
        %swap3A_104 = arith.index_cast %mul3A_95 : i32 to index
        %swap3A_105 = tpu.vector_load %arg5[%swap3A, %swap3A_104] {strides = array<i32>} : memref<16x512xi32, #tpu.memory_space<vmem>>, vector<1x16xi32>,
        %swap3A_106 = vector.shape_cast %swap3A_105 : vector<1x16xi32> to vector<16xi32>
        %swap3A_107 = vector.shape_cast %add3A_103 : vector<16xi32> to vector<1x16xi32>
        tpu.vector_store %arg5[%swap3A, %swap3A_104], %swap3A_107 {strides = array<i32>} : memref<16x512xi32, #tpu.memory_space<vmem>>, vector<1x16xi32>,
      }
      %scan3A_19 = arith.constant 32 : i32
      %dma_start3A = arith.constant 0 : i32
      %dma_start3A_20 = arith.constant 0 : i32
      %dma_start3A_21 = tpu.memref_slice %arg6[%dma_start3A, %dma_start3A_20] : memref<512x32xf32, #tpu.memory_space<vmem>> -> memref<128x32xf32, #tpu.memory_space<vmem>>
      %dma_start3A_22 = arith.constant 0 : i32
      %dma_start3A_23 = tpu.memref_slice %arg5[%scan3A_8, %dma_start3A_22] : memref<16x512xi32, #tpu.memory_space<vmem>> -> memref<1x128xi32, #tpu.memory_space<vmem>>
      %dma_start3A_24 = tpu.memref_squeeze %dma_start3A_23 : memref<1x128xi32, #tpu.memory_space<vmem>> -> memref<128xi32, #tpu.memory_space<vmem>>
      %dma_start3A_25 = arith.constant 0 : i32
      %dma_start3A_26 = arith.constant 0 : i32
      %dma_start3A_27 = tpu.memref_slice %arg3[%dma_start3A_25, %dma_start3A_26] : memref<1600000x32xf32, #tpu.memory_space<hbm>> -> memref<1600000x32xf32, #tpu.memory_space<hbm>>
      tpu.enqueue_indirect_dma source(%dma_start3A_27 : memref<1600000x32xf32, #tpu.memory_space<hbm>>) target(%dma_start3A_21 : memref<128x32xf32, #tpu.memory_space<vmem>>) offsets(%dma_start3A_24 : memref<128xi32, #tpu.memory_space<vmem>>) semaphore(%arg7 : memref<!tpu.dma_semaphore, #tpu.memory_space<semaphore_mem>>)
      %dma_start3A_28 = arith.constant 128 : i32
      %dma_start3A_29 = arith.constant 0 : i32
      %dma_start3A_30 = tpu.memref_slice %arg6[%dma_start3A_28, %dma_start3A_29] : memref<512x32xf32, #tpu.memory_space<vmem>> -> memref<128x32xf32, #tpu.memory_space<vmem>>
      %dma_start3A_31 = arith.constant 128 : i32
      %dma_start3A_32 = tpu.memref_slice %arg5[%scan3A_8, %dma_start3A_31] : memref<16x512xi32, #tpu.memory_space<vmem>> -> memref<1x128xi32, #tpu.memory_space<vmem>>
      %dma_start3A_33 = tpu.memref_squeeze %dma_start3A_32 : memref<1x128xi32, #tpu.memory_space<vmem>> -> memref<128xi32, #tpu.memory_space<vmem>>
      %dma_start3A_34 = arith.constant 0 : i32
      %dma_start3A_35 = arith.constant 0 : i32
      %dma_start3A_36 = tpu.memref_slice %arg3[%dma_start3A_34, %dma_start3A_35] : memref<1600000x32xf32, #tpu.memory_space<hbm>> -> memref<1600000x32xf32, #tpu.memory_space<hbm>>
      tpu.enqueue_indirect_dma source(%dma_start3A_36 : memref<1600000x32xf32, #tpu.memory_space<hbm>>) target(%dma_start3A_30 : memref<128x32xf32, #tpu.memory_space<vmem>>) offsets(%dma_start3A_33 : memref<128xi32, #tpu.memory_space<vmem>>) semaphore(%arg7 : memref<!tpu.dma_semaphore, #tpu.memory_space<semaphore_mem>>)
      %dma_start3A_37 = arith.constant 256 : i32
      %dma_start3A_38 = arith.constant 0 : i32
      %dma_start3A_39 = tpu.memref_slice %arg6[%dma_start3A_37, %dma_start3A_38] : memref<512x32xf32, #tpu.memory_space<vmem>> -> memref<128x32xf32, #tpu.memory_space<vmem>>
      %dma_start3A_40 = arith.constant 256 : i32
      %dma_start3A_41 = tpu.memref_slice %arg5[%scan3A_8, %dma_start3A_40] : memref<16x512xi32, #tpu.memory_space<vmem>> -> memref<1x128xi32, #tpu.memory_space<vmem>>
      %dma_start3A_42 = tpu.memref_squeeze %dma_start3A_41 : memref<1x128xi32, #tpu.memory_space<vmem>> -> memref<128xi32, #tpu.memory_space<vmem>>
      %dma_start3A_43 = arith.constant 0 : i32
      %dma_start3A_44 = arith.constant 0 : i32
      %dma_start3A_45 = tpu.memref_slice %arg3[%dma_start3A_43, %dma_start3A_44] : memref<1600000x32xf32, #tpu.memory_space<hbm>> -> memref<1600000x32xf32, #tpu.memory_space<hbm>>
      tpu.enqueue_indirect_dma source(%dma_start3A_45 : memref<1600000x32xf32, #tpu.memory_space<hbm>>) target(%dma_start3A_39 : memref<128x32xf32, #tpu.memory_space<vmem>>) offsets(%dma_start3A_42 : memref<128xi32, #tpu.memory_space<vmem>>) semaphore(%arg7 : memref<!tpu.dma_semaphore, #tpu.memory_space<semaphore_mem>>)
      %dma_start3A_46 = arith.constant 384 : i32
      %dma_start3A_47 = arith.constant 0 : i32
      %dma_start3A_48 = tpu.memref_slice %arg6[%dma_start3A_46, %dma_start3A_47] : memref<512x32xf32, #tpu.memory_space<vmem>> -> memref<128x32xf32, #tpu.memory_space<vmem>>
      %dma_start3A_49 = arith.constant 384 : i32
      %dma_start3A_50 = tpu.memref_slice %arg5[%scan3A_8, %dma_start3A_49] : memref<16x512xi32, #tpu.memory_space<vmem>> -> memref<1x128xi32, #tpu.memory_space<vmem>>
      %dma_start3A_51 = tpu.memref_squeeze %dma_start3A_50 : memref<1x128xi32, #tpu.memory_space<vmem>> -> memref<128xi32, #tpu.memory_space<vmem>>
      %dma_start3A_52 = arith.constant 0 : i32
      %dma_start3A_53 = arith.constant 0 : i32
      %dma_start3A_54 = tpu.memref_slice %arg3[%dma_start3A_52, %dma_start3A_53] : memref<1600000x32xf32, #tpu.memory_space<hbm>> -> memref<1600000x32xf32, #tpu.memory_space<hbm>>
      tpu.enqueue_indirect_dma source(%dma_start3A_54 : memref<1600000x32xf32, #tpu.memory_space<hbm>>) target(%dma_start3A_48 : memref<128x32xf32, #tpu.memory_space<vmem>>) offsets(%dma_start3A_51 : memref<128xi32, #tpu.memory_space<vmem>>) semaphore(%arg7 : memref<!tpu.dma_semaphore, #tpu.memory_space<semaphore_mem>>)
      %dma_wait3A = arith.constant 0 : i32
      %dma_wait3A_55 = arith.constant 0 : i32
      %dma_wait3A_56 = tpu.memref_slice %arg6[%dma_wait3A, %dma_wait3A_55] : memref<512x32xf32, #tpu.memory_space<vmem>> -> memref<128x32xf32, #tpu.memory_space<vmem>>
      %dma_wait3A_57 = arith.constant 0 : i32
      %dma_wait3A_58 = tpu.memref_slice %arg5[%scan3A_8, %dma_wait3A_57] : memref<16x512xi32, #tpu.memory_space<vmem>> -> memref<1x128xi32, #tpu.memory_space<vmem>>
      %dma_wait3A_59 = tpu.memref_squeeze %dma_wait3A_58 : memref<1x128xi32, #tpu.memory_space<vmem>> -> memref<128xi32, #tpu.memory_space<vmem>>
      %dma_wait3A_60 = arith.constant 0 : i32
      %dma_wait3A_61 = arith.constant 0 : i32
      %dma_wait3A_62 = tpu.memref_slice %arg3[%dma_wait3A_60, %dma_wait3A_61] : memref<1600000x32xf32, #tpu.memory_space<hbm>> -> memref<1600000x32xf32, #tpu.memory_space<hbm>>
      tpu.wait_indirect_dma semaphore(%arg7 : memref<!tpu.dma_semaphore, #tpu.memory_space<semaphore_mem>>) src(%dma_wait3A_62 : memref<1600000x32xf32, #tpu.memory_space<hbm>>) dst(%dma_wait3A_56 : memref<128x32xf32, #tpu.memory_space<vmem>>)
      %dma_wait3A_63 = arith.constant 128 : i32
      %dma_wait3A_64 = arith.constant 0 : i32
      %dma_wait3A_65 = tpu.memref_slice %arg6[%dma_wait3A_63, %dma_wait3A_64] : memref<512x32xf32, #tpu.memory_space<vmem>> -> memref<128x32xf32, #tpu.memory_space<vmem>>
      %dma_wait3A_66 = arith.constant 128 : i32
      %dma_wait3A_67 = tpu.memref_slice %arg5[%scan3A_8, %dma_wait3A_66] : memref<16x512xi32, #tpu.memory_space<vmem>> -> memref<1x128xi32, #tpu.memory_space<vmem>>
      %dma_wait3A_68 = tpu.memref_squeeze %dma_wait3A_67 : memref<1x128xi32, #tpu.memory_space<vmem>> -> memref<128xi32, #tpu.memory_space<vmem>>
      %dma_wait3A_69 = arith.constant 0 : i32
      %dma_wait3A_70 = arith.constant 0 : i32
      %dma_wait3A_71 = tpu.memref_slice %arg3[%dma_wait3A_69, %dma_wait3A_70] : memref<1600000x32xf32, #tpu.memory_space<hbm>> -> memref<1600000x32xf32, #tpu.memory_space<hbm>>
      tpu.wait_indirect_dma semaphore(%arg7 : memref<!tpu.dma_semaphore, #tpu.memory_space<semaphore_mem>>) src(%dma_wait3A_71 : memref<1600000x32xf32, #tpu.memory_space<hbm>>) dst(%dma_wait3A_65 : memref<128x32xf32, #tpu.memory_space<vmem>>)
      %dma_wait3A_72 = arith.constant 256 : i32
      %dma_wait3A_73 = arith.constant 0 : i32
      %dma_wait3A_74 = tpu.memref_slice %arg6[%dma_wait3A_72, %dma_wait3A_73] : memref<512x32xf32, #tpu.memory_space<vmem>> -> memref<128x32xf32, #tpu.memory_space<vmem>>
      %dma_wait3A_75 = arith.constant 256 : i32
      %dma_wait3A_76 = tpu.memref_slice %arg5[%scan3A_8, %dma_wait3A_75] : memref<16x512xi32, #tpu.memory_space<vmem>> -> memref<1x128xi32, #tpu.memory_space<vmem>>
      %dma_wait3A_77 = tpu.memref_squeeze %dma_wait3A_76 : memref<1x128xi32, #tpu.memory_space<vmem>> -> memref<128xi32, #tpu.memory_space<vmem>>
      %dma_wait3A_78 = arith.constant 0 : i32
      %dma_wait3A_79 = arith.constant 0 : i32
      %dma_wait3A_80 = tpu.memref_slice %arg3[%dma_wait3A_78, %dma_wait3A_79] : memref<1600000x32xf32, #tpu.memory_space<hbm>> -> memref<1600000x32xf32, #tpu.memory_space<hbm>>
      tpu.wait_indirect_dma semaphore(%arg7 : memref<!tpu.dma_semaphore, #tpu.memory_space<semaphore_mem>>) src(%dma_wait3A_80 : memref<1600000x32xf32, #tpu.memory_space<hbm>>) dst(%dma_wait3A_74 : memref<128x32xf32, #tpu.memory_space<vmem>>)
      %dma_wait3A_81 = arith.constant 384 : i32
      %dma_wait3A_82 = arith.constant 0 : i32
      %dma_wait3A_83 = tpu.memref_slice %arg6[%dma_wait3A_81, %dma_wait3A_82] : memref<512x32xf32, #tpu.memory_space<vmem>> -> memref<128x32xf32, #tpu.memory_space<vmem>>
      %dma_wait3A_84 = arith.constant 384 : i32
      %dma_wait3A_85 = tpu.memref_slice %arg5[%scan3A_8, %dma_wait3A_84] : memref<16x512xi32, #tpu.memory_space<vmem>> -> memref<1x128xi32, #tpu.memory_space<vmem>>
      %dma_wait3A_86 = tpu.memref_squeeze %dma_wait3A_85 : memref<1x128xi32, #tpu.memory_space<vmem>> -> memref<128xi32, #tpu.memory_space<vmem>>
      %dma_wait3A_87 = arith.constant 0 : i32
      %dma_wait3A_88 = arith.constant 0 : i32
      %dma_wait3A_89 = tpu.memref_slice %arg3[%dma_wait3A_87, %dma_wait3A_88] : memref<1600000x32xf32, #tpu.memory_space<hbm>> -> memref<1600000x32xf32, #tpu.memory_space<hbm>>
      tpu.wait_indirect_dma semaphore(%arg7 : memref<!tpu.dma_semaphore, #tpu.memory_space<semaphore_mem>>) src(%dma_wait3A_89 : memref<1600000x32xf32, #tpu.memory_space<hbm>>) dst(%dma_wait3A_83 : memref<128x32xf32, #tpu.memory_space<vmem>>)
      %mul3A_90 = arith.constant 16384 : i32
      %mul3A_91 = arith.muli %scan3A_8, %mul3A_90 : i32
      %add3A_92 = arith.addi %mul3A_91, %mul3A_2 : i32
      "tpu.region"() ({
        %run_scoped3A = tpu.sem_alloc : memref<!tpu.dma_semaphore, #tpu.memory_space<semaphore_mem>>
        %dma_start3A_93 = arith.constant 0 : i32
        %dma_start3A_94 = tpu.memref_slice %arg4[%add3A_92, %dma_start3A_93] : memref<262144x32xf32, #tpu.memory_space<hbm>> -> memref<512x32xf32, #tpu.memory_space<hbm>>
        %dma_start3A_95 = arith.constant 0 : i32
        %dma_start3A_96 = tpu.memref_slice %arg4[%add3A_92, %dma_start3A_95] : memref<262144x32xf32, #tpu.memory_space<hbm>> -> memref<512x32xf32, #tpu.memory_space<hbm>>
        tpu.enqueue_dma source(%arg6 : memref<512x32xf32, #tpu.memory_space<vmem>>) target(%dma_start3A_96 : memref<512x32xf32, #tpu.memory_space<hbm>>) target_semaphore(%run_scoped3A : memref<!tpu.dma_semaphore, #tpu.memory_space<semaphore_mem>>)
        %dma_wait3A_97 = arith.constant 0 : i32
        %dma_wait3A_98 = tpu.memref_slice %arg4[%add3A_92, %dma_wait3A_97] : memref<262144x32xf32, #tpu.memory_space<hbm>> -> memref<512x32xf32, #tpu.memory_space<hbm>>
        %dma_wait3A_99 = arith.constant 0 : i32
        %dma_wait3A_100 = tpu.memref_slice %arg4[%add3A_92, %dma_wait3A_99] : memref<262144x32xf32, #tpu.memory_space<hbm>> -> memref<512x32xf32, #tpu.memory_space<hbm>>
        tpu.wait_dma2 semaphore(%run_scoped3A : memref<!tpu.dma_semaphore, #tpu.memory_space<semaphore_mem>>) src(%arg6 : memref<512x32xf32, #tpu.memory_space<vmem>>) dst(%dma_wait3A_100 : memref<512x32xf32, #tpu.memory_space<hbm>>)
        tpu.yield
      }) : () -> ()
    }
    %scan3A_7 = arith.constant 16 : i32
    return
  }
}

#map = affine_map<(d0, d1) -> (0, 0)>
module attributes {stable_mosaic.version = 14 : i64} {
  func.func @k(%arg0: i32, %arg1: i32, %arg2: memref<10x16384xi32, #tpu.memory_space<hbm>>, %arg3: memref<1200000x32xf32, #tpu.memory_space<hbm>>, %arg4: memref<163840x32xf32, #tpu.memory_space<hbm>>, %arg5: memref<10x512xi32, #tpu.memory_space<vmem>>, %arg6: memref<512x32xf32, #tpu.memory_space<vmem>>, %arg7: memref<!tpu.dma_semaphore, #tpu.memory_space<semaphore_mem>>) attributes {dimension_semantics = [#tpu.dimension_semantics<core_parallel>, #tpu.dimension_semantics<subcore_parallel>], iteration_bounds = array<i64: 2, 16>, scalar_prefetch = 0 : i64, scratch_operands = 3 : i64, tpu.core_type = #tpu.core_type<sc_vector_subcore>, window_params = [{transform_indices = #map}, {transform_indices = #map}, {transform_indices = #map}]} {
    %mul3A = arith.constant 2 : i32
    %mul3A_0 = arith.muli %arg1, %mul3A : i32
    %add3A = arith.addi %mul3A_0, %arg0 : i32
    %mul3A_1 = arith.constant 512 : i32
    %mul3A_2 = arith.muli %add3A, %mul3A_1 : i32
    "tpu.region"() ({
      %run_scoped3A = tpu.sem_alloc : memref<!tpu.dma_semaphore, #tpu.memory_space<semaphore_mem>>
      %dma_start3A = arith.constant 0 : i32
      %dma_start3A_8 = tpu.memref_slice %arg2[%dma_start3A, %mul3A_2] : memref<10x16384xi32, #tpu.memory_space<hbm>> -> memref<10x512xi32, #tpu.memory_space<hbm>>
      %dma_start3A_9 = arith.constant 0 : i32
      %dma_start3A_10 = tpu.memref_slice %arg2[%dma_start3A_9, %mul3A_2] : memref<10x16384xi32, #tpu.memory_space<hbm>> -> memref<10x512xi32, #tpu.memory_space<hbm>>
      tpu.enqueue_dma source(%dma_start3A_10 : memref<10x512xi32, #tpu.memory_space<hbm>>) target(%arg5 : memref<10x512xi32, #tpu.memory_space<vmem>>) target_semaphore(%run_scoped3A : memref<!tpu.dma_semaphore, #tpu.memory_space<semaphore_mem>>)
      %dma_wait3A = arith.constant 0 : i32
      %dma_wait3A_11 = tpu.memref_slice %arg2[%dma_wait3A, %mul3A_2] : memref<10x16384xi32, #tpu.memory_space<hbm>> -> memref<10x512xi32, #tpu.memory_space<hbm>>
      %dma_wait3A_12 = arith.constant 0 : i32
      %dma_wait3A_13 = tpu.memref_slice %arg2[%dma_wait3A_12, %mul3A_2] : memref<10x16384xi32, #tpu.memory_space<hbm>> -> memref<10x512xi32, #tpu.memory_space<hbm>>
      tpu.wait_dma2 semaphore(%run_scoped3A : memref<!tpu.dma_semaphore, #tpu.memory_space<semaphore_mem>>) src(%dma_wait3A_13 : memref<10x512xi32, #tpu.memory_space<hbm>>) dst(%arg5 : memref<10x512xi32, #tpu.memory_space<vmem>>)
      tpu.yield
    }) : () -> ()
    %scan3A = arith.constant 0 : i32
    %scan3A_3 = arith.constant 0 : i32
    %scan3A_4 = arith.constant 10 : i32
    %scan3A_5 = arith.addi %scan3A_3, %scan3A_4 : i32
    %scan3A_6 = arith.constant 1 : i32
    scf.for %scan3A_8 = %scan3A_3 to %scan3A_5 step %scan3A_6  : i32 {
      %div3A = arith.constant 4 : i32
      %div3A_9 = arith.divsi %scan3A_8, %div3A : i32
      %mul3A_10 = arith.constant 400000 : i32
      %mul3A_11 = arith.muli %div3A_9, %mul3A_10 : i32
      %rem3A = arith.constant 4 : i32
      %rem3A_12 = arith.remsi %scan3A_8, %rem3A : i32
      %add3A_13 = arith.addi %mul3A_11, %rem3A_12 : i32
      %scan3A_14 = arith.constant 0 : i32
      %scan3A_15 = arith.constant 0 : i32
      %scan3A_16 = arith.constant 32 : i32
      %scan3A_17 = arith.addi %scan3A_15, %scan3A_16 : i32
      %scan3A_18 = arith.constant 1 : i32
      scf.for %scan3A_93 = %scan3A_15 to %scan3A_17 step %scan3A_18  : i32 {
        %mul3A_94 = arith.constant 16 : i32
        %mul3A_95 = arith.muli %scan3A_93, %mul3A_94 : i32
        %get3A = arith.index_cast %scan3A_8 : i32 to index
        %get3A_96 = arith.index_cast %mul3A_95 : i32 to index
        %get3A_97 = tpu.vector_load %arg5[%get3A, %get3A_96] {strides = array<i32>} : memref<10x512xi32, #tpu.memory_space<vmem>>, vector<1x16xi32>,
        %get3A_98 = vector.shape_cast %get3A_97 : vector<1x16xi32> to vector<16xi32>
        %mul3A_99 = arith.constant 4 : i32
        %mul3A_100 = vector.broadcast %mul3A_99 : i32 to vector<16xi32>
        %mul3A_101 = arith.muli %get3A_98, %mul3A_100 : vector<16xi32>
        %add3A_102 = vector.broadcast %add3A_13 : i32 to vector<16xi32>
        %add3A_103 = arith.addi %mul3A_101, %add3A_102 : vector<16xi32>
        %swap3A = arith.index_cast %scan3A_8 : i32 to index
        %swap3A_104 = arith.index_cast %mul3A_95 : i32 to index
        %swap3A_105 = tpu.vector_load %arg5[%swap3A, %swap3A_104] {strides = array<i32>} : memref<10x512xi32, #tpu.memory_space<vmem>>, vector<1x16xi32>,
        %swap3A_106 = vector.shape_cast %swap3A_105 : vector<1x16xi32> to vector<16xi32>
        %swap3A_107 = vector.shape_cast %add3A_103 : vector<16xi32> to vector<1x16xi32>
        tpu.vector_store %arg5[%swap3A, %swap3A_104], %swap3A_107 {strides = array<i32>} : memref<10x512xi32, #tpu.memory_space<vmem>>, vector<1x16xi32>,
      }
      %scan3A_19 = arith.constant 32 : i32
      %dma_start3A = arith.constant 0 : i32
      %dma_start3A_20 = arith.constant 0 : i32
      %dma_start3A_21 = tpu.memref_slice %arg6[%dma_start3A, %dma_start3A_20] : memref<512x32xf32, #tpu.memory_space<vmem>> -> memref<128x32xf32, #tpu.memory_space<vmem>>
      %dma_start3A_22 = arith.constant 0 : i32
      %dma_start3A_23 = tpu.memref_slice %arg5[%scan3A_8, %dma_start3A_22] : memref<10x512xi32, #tpu.memory_space<vmem>> -> memref<1x128xi32, #tpu.memory_space<vmem>>
      %dma_start3A_24 = tpu.memref_squeeze %dma_start3A_23 : memref<1x128xi32, #tpu.memory_space<vmem>> -> memref<128xi32, #tpu.memory_space<vmem>>
      %dma_start3A_25 = arith.constant 0 : i32
      %dma_start3A_26 = arith.constant 0 : i32
      %dma_start3A_27 = tpu.memref_slice %arg3[%dma_start3A_25, %dma_start3A_26] : memref<1200000x32xf32, #tpu.memory_space<hbm>> -> memref<1200000x32xf32, #tpu.memory_space<hbm>>
      tpu.enqueue_indirect_dma source(%dma_start3A_27 : memref<1200000x32xf32, #tpu.memory_space<hbm>>) target(%dma_start3A_21 : memref<128x32xf32, #tpu.memory_space<vmem>>) offsets(%dma_start3A_24 : memref<128xi32, #tpu.memory_space<vmem>>) semaphore(%arg7 : memref<!tpu.dma_semaphore, #tpu.memory_space<semaphore_mem>>)
      %dma_start3A_28 = arith.constant 128 : i32
      %dma_start3A_29 = arith.constant 0 : i32
      %dma_start3A_30 = tpu.memref_slice %arg6[%dma_start3A_28, %dma_start3A_29] : memref<512x32xf32, #tpu.memory_space<vmem>> -> memref<128x32xf32, #tpu.memory_space<vmem>>
      %dma_start3A_31 = arith.constant 128 : i32
      %dma_start3A_32 = tpu.memref_slice %arg5[%scan3A_8, %dma_start3A_31] : memref<10x512xi32, #tpu.memory_space<vmem>> -> memref<1x128xi32, #tpu.memory_space<vmem>>
      %dma_start3A_33 = tpu.memref_squeeze %dma_start3A_32 : memref<1x128xi32, #tpu.memory_space<vmem>> -> memref<128xi32, #tpu.memory_space<vmem>>
      %dma_start3A_34 = arith.constant 0 : i32
      %dma_start3A_35 = arith.constant 0 : i32
      %dma_start3A_36 = tpu.memref_slice %arg3[%dma_start3A_34, %dma_start3A_35] : memref<1200000x32xf32, #tpu.memory_space<hbm>> -> memref<1200000x32xf32, #tpu.memory_space<hbm>>
      tpu.enqueue_indirect_dma source(%dma_start3A_36 : memref<1200000x32xf32, #tpu.memory_space<hbm>>) target(%dma_start3A_30 : memref<128x32xf32, #tpu.memory_space<vmem>>) offsets(%dma_start3A_33 : memref<128xi32, #tpu.memory_space<vmem>>) semaphore(%arg7 : memref<!tpu.dma_semaphore, #tpu.memory_space<semaphore_mem>>)
      %dma_start3A_37 = arith.constant 256 : i32
      %dma_start3A_38 = arith.constant 0 : i32
      %dma_start3A_39 = tpu.memref_slice %arg6[%dma_start3A_37, %dma_start3A_38] : memref<512x32xf32, #tpu.memory_space<vmem>> -> memref<128x32xf32, #tpu.memory_space<vmem>>
      %dma_start3A_40 = arith.constant 256 : i32
      %dma_start3A_41 = tpu.memref_slice %arg5[%scan3A_8, %dma_start3A_40] : memref<10x512xi32, #tpu.memory_space<vmem>> -> memref<1x128xi32, #tpu.memory_space<vmem>>
      %dma_start3A_42 = tpu.memref_squeeze %dma_start3A_41 : memref<1x128xi32, #tpu.memory_space<vmem>> -> memref<128xi32, #tpu.memory_space<vmem>>
      %dma_start3A_43 = arith.constant 0 : i32
      %dma_start3A_44 = arith.constant 0 : i32
      %dma_start3A_45 = tpu.memref_slice %arg3[%dma_start3A_43, %dma_start3A_44] : memref<1200000x32xf32, #tpu.memory_space<hbm>> -> memref<1200000x32xf32, #tpu.memory_space<hbm>>
      tpu.enqueue_indirect_dma source(%dma_start3A_45 : memref<1200000x32xf32, #tpu.memory_space<hbm>>) target(%dma_start3A_39 : memref<128x32xf32, #tpu.memory_space<vmem>>) offsets(%dma_start3A_42 : memref<128xi32, #tpu.memory_space<vmem>>) semaphore(%arg7 : memref<!tpu.dma_semaphore, #tpu.memory_space<semaphore_mem>>)
      %dma_start3A_46 = arith.constant 384 : i32
      %dma_start3A_47 = arith.constant 0 : i32
      %dma_start3A_48 = tpu.memref_slice %arg6[%dma_start3A_46, %dma_start3A_47] : memref<512x32xf32, #tpu.memory_space<vmem>> -> memref<128x32xf32, #tpu.memory_space<vmem>>
      %dma_start3A_49 = arith.constant 384 : i32
      %dma_start3A_50 = tpu.memref_slice %arg5[%scan3A_8, %dma_start3A_49] : memref<10x512xi32, #tpu.memory_space<vmem>> -> memref<1x128xi32, #tpu.memory_space<vmem>>
      %dma_start3A_51 = tpu.memref_squeeze %dma_start3A_50 : memref<1x128xi32, #tpu.memory_space<vmem>> -> memref<128xi32, #tpu.memory_space<vmem>>
      %dma_start3A_52 = arith.constant 0 : i32
      %dma_start3A_53 = arith.constant 0 : i32
      %dma_start3A_54 = tpu.memref_slice %arg3[%dma_start3A_52, %dma_start3A_53] : memref<1200000x32xf32, #tpu.memory_space<hbm>> -> memref<1200000x32xf32, #tpu.memory_space<hbm>>
      tpu.enqueue_indirect_dma source(%dma_start3A_54 : memref<1200000x32xf32, #tpu.memory_space<hbm>>) target(%dma_start3A_48 : memref<128x32xf32, #tpu.memory_space<vmem>>) offsets(%dma_start3A_51 : memref<128xi32, #tpu.memory_space<vmem>>) semaphore(%arg7 : memref<!tpu.dma_semaphore, #tpu.memory_space<semaphore_mem>>)
      %dma_wait3A = arith.constant 0 : i32
      %dma_wait3A_55 = arith.constant 0 : i32
      %dma_wait3A_56 = tpu.memref_slice %arg6[%dma_wait3A, %dma_wait3A_55] : memref<512x32xf32, #tpu.memory_space<vmem>> -> memref<128x32xf32, #tpu.memory_space<vmem>>
      %dma_wait3A_57 = arith.constant 0 : i32
      %dma_wait3A_58 = tpu.memref_slice %arg5[%scan3A_8, %dma_wait3A_57] : memref<10x512xi32, #tpu.memory_space<vmem>> -> memref<1x128xi32, #tpu.memory_space<vmem>>
      %dma_wait3A_59 = tpu.memref_squeeze %dma_wait3A_58 : memref<1x128xi32, #tpu.memory_space<vmem>> -> memref<128xi32, #tpu.memory_space<vmem>>
      %dma_wait3A_60 = arith.constant 0 : i32
      %dma_wait3A_61 = arith.constant 0 : i32
      %dma_wait3A_62 = tpu.memref_slice %arg3[%dma_wait3A_60, %dma_wait3A_61] : memref<1200000x32xf32, #tpu.memory_space<hbm>> -> memref<1200000x32xf32, #tpu.memory_space<hbm>>
      tpu.wait_indirect_dma semaphore(%arg7 : memref<!tpu.dma_semaphore, #tpu.memory_space<semaphore_mem>>) src(%dma_wait3A_62 : memref<1200000x32xf32, #tpu.memory_space<hbm>>) dst(%dma_wait3A_56 : memref<128x32xf32, #tpu.memory_space<vmem>>)
      %dma_wait3A_63 = arith.constant 128 : i32
      %dma_wait3A_64 = arith.constant 0 : i32
      %dma_wait3A_65 = tpu.memref_slice %arg6[%dma_wait3A_63, %dma_wait3A_64] : memref<512x32xf32, #tpu.memory_space<vmem>> -> memref<128x32xf32, #tpu.memory_space<vmem>>
      %dma_wait3A_66 = arith.constant 128 : i32
      %dma_wait3A_67 = tpu.memref_slice %arg5[%scan3A_8, %dma_wait3A_66] : memref<10x512xi32, #tpu.memory_space<vmem>> -> memref<1x128xi32, #tpu.memory_space<vmem>>
      %dma_wait3A_68 = tpu.memref_squeeze %dma_wait3A_67 : memref<1x128xi32, #tpu.memory_space<vmem>> -> memref<128xi32, #tpu.memory_space<vmem>>
      %dma_wait3A_69 = arith.constant 0 : i32
      %dma_wait3A_70 = arith.constant 0 : i32
      %dma_wait3A_71 = tpu.memref_slice %arg3[%dma_wait3A_69, %dma_wait3A_70] : memref<1200000x32xf32, #tpu.memory_space<hbm>> -> memref<1200000x32xf32, #tpu.memory_space<hbm>>
      tpu.wait_indirect_dma semaphore(%arg7 : memref<!tpu.dma_semaphore, #tpu.memory_space<semaphore_mem>>) src(%dma_wait3A_71 : memref<1200000x32xf32, #tpu.memory_space<hbm>>) dst(%dma_wait3A_65 : memref<128x32xf32, #tpu.memory_space<vmem>>)
      %dma_wait3A_72 = arith.constant 256 : i32
      %dma_wait3A_73 = arith.constant 0 : i32
      %dma_wait3A_74 = tpu.memref_slice %arg6[%dma_wait3A_72, %dma_wait3A_73] : memref<512x32xf32, #tpu.memory_space<vmem>> -> memref<128x32xf32, #tpu.memory_space<vmem>>
      %dma_wait3A_75 = arith.constant 256 : i32
      %dma_wait3A_76 = tpu.memref_slice %arg5[%scan3A_8, %dma_wait3A_75] : memref<10x512xi32, #tpu.memory_space<vmem>> -> memref<1x128xi32, #tpu.memory_space<vmem>>
      %dma_wait3A_77 = tpu.memref_squeeze %dma_wait3A_76 : memref<1x128xi32, #tpu.memory_space<vmem>> -> memref<128xi32, #tpu.memory_space<vmem>>
      %dma_wait3A_78 = arith.constant 0 : i32
      %dma_wait3A_79 = arith.constant 0 : i32
      %dma_wait3A_80 = tpu.memref_slice %arg3[%dma_wait3A_78, %dma_wait3A_79] : memref<1200000x32xf32, #tpu.memory_space<hbm>> -> memref<1200000x32xf32, #tpu.memory_space<hbm>>
      tpu.wait_indirect_dma semaphore(%arg7 : memref<!tpu.dma_semaphore, #tpu.memory_space<semaphore_mem>>) src(%dma_wait3A_80 : memref<1200000x32xf32, #tpu.memory_space<hbm>>) dst(%dma_wait3A_74 : memref<128x32xf32, #tpu.memory_space<vmem>>)
      %dma_wait3A_81 = arith.constant 384 : i32
      %dma_wait3A_82 = arith.constant 0 : i32
      %dma_wait3A_83 = tpu.memref_slice %arg6[%dma_wait3A_81, %dma_wait3A_82] : memref<512x32xf32, #tpu.memory_space<vmem>> -> memref<128x32xf32, #tpu.memory_space<vmem>>
      %dma_wait3A_84 = arith.constant 384 : i32
      %dma_wait3A_85 = tpu.memref_slice %arg5[%scan3A_8, %dma_wait3A_84] : memref<10x512xi32, #tpu.memory_space<vmem>> -> memref<1x128xi32, #tpu.memory_space<vmem>>
      %dma_wait3A_86 = tpu.memref_squeeze %dma_wait3A_85 : memref<1x128xi32, #tpu.memory_space<vmem>> -> memref<128xi32, #tpu.memory_space<vmem>>
      %dma_wait3A_87 = arith.constant 0 : i32
      %dma_wait3A_88 = arith.constant 0 : i32
      %dma_wait3A_89 = tpu.memref_slice %arg3[%dma_wait3A_87, %dma_wait3A_88] : memref<1200000x32xf32, #tpu.memory_space<hbm>> -> memref<1200000x32xf32, #tpu.memory_space<hbm>>
      tpu.wait_indirect_dma semaphore(%arg7 : memref<!tpu.dma_semaphore, #tpu.memory_space<semaphore_mem>>) src(%dma_wait3A_89 : memref<1200000x32xf32, #tpu.memory_space<hbm>>) dst(%dma_wait3A_83 : memref<128x32xf32, #tpu.memory_space<vmem>>)
      %mul3A_90 = arith.constant 16384 : i32
      %mul3A_91 = arith.muli %scan3A_8, %mul3A_90 : i32
      %add3A_92 = arith.addi %mul3A_91, %mul3A_2 : i32
      "tpu.region"() ({
        %run_scoped3A = tpu.sem_alloc : memref<!tpu.dma_semaphore, #tpu.memory_space<semaphore_mem>>
        %dma_start3A_93 = arith.constant 0 : i32
        %dma_start3A_94 = tpu.memref_slice %arg4[%add3A_92, %dma_start3A_93] : memref<163840x32xf32, #tpu.memory_space<hbm>> -> memref<512x32xf32, #tpu.memory_space<hbm>>
        %dma_start3A_95 = arith.constant 0 : i32
        %dma_start3A_96 = tpu.memref_slice %arg4[%add3A_92, %dma_start3A_95] : memref<163840x32xf32, #tpu.memory_space<hbm>> -> memref<512x32xf32, #tpu.memory_space<hbm>>
        tpu.enqueue_dma source(%arg6 : memref<512x32xf32, #tpu.memory_space<vmem>>) target(%dma_start3A_96 : memref<512x32xf32, #tpu.memory_space<hbm>>) target_semaphore(%run_scoped3A : memref<!tpu.dma_semaphore, #tpu.memory_space<semaphore_mem>>)
        %dma_wait3A_97 = arith.constant 0 : i32
        %dma_wait3A_98 = tpu.memref_slice %arg4[%add3A_92, %dma_wait3A_97] : memref<163840x32xf32, #tpu.memory_space<hbm>> -> memref<512x32xf32, #tpu.memory_space<hbm>>
        %dma_wait3A_99 = arith.constant 0 : i32
        %dma_wait3A_100 = tpu.memref_slice %arg4[%add3A_92, %dma_wait3A_99] : memref<163840x32xf32, #tpu.memory_space<hbm>> -> memref<512x32xf32, #tpu.memory_space<hbm>>
        tpu.wait_dma2 semaphore(%run_scoped3A : memref<!tpu.dma_semaphore, #tpu.memory_space<semaphore_mem>>) src(%arg6 : memref<512x32xf32, #tpu.memory_space<vmem>>) dst(%dma_wait3A_100 : memref<512x32xf32, #tpu.memory_space<hbm>>)
        tpu.yield
      }) : () -> ()
    }
    %scan3A_7 = arith.constant 10 : i32
    return
  }
}

module attributes {stable_mosaic.version = 14 : i64} {
  func.func @body(%arg0: i32, %arg1: i32, %arg2: memref<128x16384xf32, #tpu.memory_space<vmem>>, %arg3: memref<1x16384x128xf32, #tpu.memory_space<vmem>>) attributes {dimension_semantics = [#tpu.dimension_semantics<arbitrary>, #tpu.dimension_semantics<arbitrary>], iteration_bounds = array<i64: 4, 7>, scalar_prefetch = 0 : i64, scratch_operands = 0 : i64, tpu.core_type = #tpu.core_type<tc>, window_params = [{transform_indices = @transform_0, window_bounds = array<i64: 128, 16384>}, {transform_indices = @transform_1, window_bounds = array<i64: 1, 16384, 128>}]} {
    %get3A = arith.constant 0 : index
    %get3A_0 = arith.constant 0 : index
    %get3A_1 = vector.load %arg2[%get3A, %get3A_0] : memref<128x16384xf32, #tpu.memory_space<vmem>>, vector<128x16384xf32>
    %transpose3A = tpu.transpose %get3A_1, [1, 0] : vector<128x16384xf32> -> vector<16384x128xf32>
    %swap3A = arith.constant 0 : index
    %swap3A_2 = arith.constant 0 : index
    %swap3A_3 = arith.constant 0 : index
    %swap3A_4 = vector.load %arg3[%swap3A, %swap3A_2, %swap3A_3] : memref<1x16384x128xf32, #tpu.memory_space<vmem>>, vector<1x16384x128xf32>
    %swap3A_5 = vector.shape_cast %swap3A_4 : vector<1x16384x128xf32> to vector<16384x128xf32>
    %swap3A_6 = vector.shape_cast %transpose3A : vector<16384x128xf32> to vector<1x16384x128xf32>
    tpu.vector_store %arg3[%swap3A, %swap3A_2, %swap3A_3], %swap3A_6 {strides = array<i32>} : memref<1x16384x128xf32, #tpu.memory_space<vmem>>, vector<1x16384x128xf32>,
    return
  }
  func.func @transform_0(%arg0: i32, %arg1: i32) -> (i32, i32) {
    %add3A = arith.constant 0 : i32
    %add3A_0 = arith.addi %add3A, %arg0 : i32
    %c0_i32 = arith.constant 0 : i32
    return %add3A_0, %arg1 : i32, i32
  }
  func.func @transform_1(%arg0: i32, %arg1: i32) -> (i32, i32, i32) {
    %c0_i32 = arith.constant 0 : i32
    %c0_i32_0 = arith.constant 0 : i32
    return %arg0, %arg1, %c0_i32 : i32, i32, i32
  }
}

module attributes {stable_mosaic.version = 14 : i64} {
  func.func @body(%arg0: i32, %arg1: i32, %arg2: memref<128x16384xf32, #tpu.memory_space<vmem>>, %arg3: memref<1x16384x128xf32, #tpu.memory_space<vmem>>) attributes {dimension_semantics = [#tpu.dimension_semantics<arbitrary>, #tpu.dimension_semantics<arbitrary>], iteration_bounds = array<i64: 3, 7>, scalar_prefetch = 0 : i64, scratch_operands = 0 : i64, tpu.core_type = #tpu.core_type<tc>, window_params = [{transform_indices = @transform_0, window_bounds = array<i64: 128, 16384>}, {transform_indices = @transform_1, window_bounds = array<i64: 1, 16384, 128>}]} {
    %get3A = arith.constant 0 : index
    %get3A_0 = arith.constant 0 : index
    %get3A_1 = vector.load %arg2[%get3A, %get3A_0] : memref<128x16384xf32, #tpu.memory_space<vmem>>, vector<128x16384xf32>
    %transpose3A = tpu.transpose %get3A_1, [1, 0] : vector<128x16384xf32> -> vector<16384x128xf32>
    %swap3A = arith.constant 0 : index
    %swap3A_2 = arith.constant 0 : index
    %swap3A_3 = arith.constant 0 : index
    %swap3A_4 = vector.load %arg3[%swap3A, %swap3A_2, %swap3A_3] : memref<1x16384x128xf32, #tpu.memory_space<vmem>>, vector<1x16384x128xf32>
    %swap3A_5 = vector.shape_cast %swap3A_4 : vector<1x16384x128xf32> to vector<16384x128xf32>
    %swap3A_6 = vector.shape_cast %transpose3A : vector<16384x128xf32> to vector<1x16384x128xf32>
    tpu.vector_store %arg3[%swap3A, %swap3A_2, %swap3A_3], %swap3A_6 {strides = array<i32>} : memref<1x16384x128xf32, #tpu.memory_space<vmem>>, vector<1x16384x128xf32>,
    return
  }
  func.func @transform_0(%arg0: i32, %arg1: i32) -> (i32, i32) {
    %add3A = arith.constant 4 : i32
    %add3A_0 = arith.addi %add3A, %arg0 : i32
    %c0_i32 = arith.constant 0 : i32
    return %add3A_0, %arg1 : i32, i32
  }
  func.func @transform_1(%arg0: i32, %arg1: i32) -> (i32, i32, i32) {
    %c0_i32 = arith.constant 0 : i32
    %c0_i32_0 = arith.constant 0 : i32
    return %arg0, %arg1, %c0_i32 : i32, i32, i32
  }
}

</mosaic_0001>

<sc_bundles>
// kernel: kernel.6.cloned.1.call-start
scs
__scs_entry_jumppad:
0x0: {  	(pc) =	sbr.rel $0x88, $3  }
0x1: {  	(tag) =	ssettag $0x0;
	lr =	simm.s32 $0x1  }
0x2: {  	[smem:$0x3F9F] =	sst lr;
	_ =	strace $0xD0000000  }
0x3: {  	_ = 	snop  }
0x4: {  	_ = 	snop  }
0x5: {  	_ = 	snop  }
0x6: {  	_ = 	snop  }
0x7: {  	_ = 	snop  }
__scs_overlays_trampoline_lowered:
0x8: {  	[smem:$0x3FAE] =	sst s0  }
0x9: {  	[smem:$0x3FAF] =	sst s1  }
0xa: {  	[smem:$0x3FB0] =	sst s2  }
0xb: {  	[smem:$0x3FB1] =	sst s3  }
0xc: {  	[smem:$0x3FB2] =	sst s4  }
0xd: {  	[smem:$0x3FB3] =	sst s5  }
0xe: {  	[smem:$0x3FB4] =	sst s6  }
0xf: {  	[smem:$0x3FB5] =	sst s7  }
0x10: {  	[smem:$0x3FB6] =	sst s8  }
0x11: {  	[smem:$0x3FB7] =	sst s9;
	s0 =	simm.s32 @!p0 $0x0  }
0x12: {  	s1 =	sld [smem:$0x3F9D];
	s0 =	simm.s32 @p0 $0x1  }
0x13: {  	[smem:$0x3FB8] =	sst s0;
	s0 =	simm.s32 @!p1 $0x0  }
0x14: {  	s2 =	sld [smem:$0x3F9C];
	s0 =	simm.s32 @p1 $0x1  }
0x15: {  	[smem:$0x3FB9] =	sst s0;
	s0 =	simm.s32 @!p2 $0x0  }
0x16: {  	s3 =	sld [smem:$0x3FDB];
	s0 =	simm.s32 @p2 $0x1  }
0x17: {  	s4 =	simm.s32 $0x1BF5;
	[smem:$0x3FBB] =	sst s0  }
0x18: {  	s0 =	sld [smem:$0x3F9E];
	_ =	swait.ge [sflag:s4], $0x0  }
0x19: {  	s7 =	sld [smem:$0x3F9F]  }
0x1a: {  	s8 =	sadd.s32 $0xFFFFE003, lr  }
0x1b: {  	s9 =	sadd.s32 $0xFFFFFEF7, lr;
	s5 =	simm.s32 $0xFFFFFFFF;
	p2 =	slt.u32 s8, $0xFFFFF086  }
0x1c: {  	p1 =	slt.u32 s9, $0xF7A;
	s5 =	simm.s32 @!p2 $0x0  }
0x1d: {  	s5 =	simm.s32 @p1 $0x1;
	p0 =	seq.s32 s7, s2  }
0x1e: {  	s7 =	smul.u32 @!p0 $0xF7A, s2;
	p2 =	seq.s32 @!p0 s5, $0x0  }
0x1f: {  	s9 =	smul.u32 $0xF7A, s1;
	s8 =	simm.s32 @!p0 $0x1BF5;
	p2 =	por !p2, p0  }
0x20: {  	[sflag:s8] =	ssyncset.s32 @!p0 $0xFFFFF086;
	s6 =	sadd.s32 @!p0 s3, s7;
	s7 =	simm.s32 @!p0 $0x108  }
0x21: {  	s3 =	sadd.s32 s3, s9;
	s6 =	sadd.s32 @!p0 $0x88, s6;
	s7 =	simm.s32 @p2 $0x1082  }
0x22: {  	[simem:s7], [sflag:s8] =	dma.local @!p0 [hbm:s6], $0xF7A  }
0x23: {  	s9 =	sor.u32 $0xD0000000, s2;
	s6 =	simm.s32 $0x108;
	_ =	swait.ge @!p0 [sflag:s8], $0x0  }
0x24: {  	s3 =	sadd.s32 $0x88, s3;
	s6 =	simm.s32 @!p1 $0x1082;
	[sflag:s4] =	ssyncset.s32 $0xFFFFF086  }
0x25: {  	[simem:s6], [sflag:s4] =	dma.local [hbm:s3], $0xF7A  }
0x26: {  	[smem:$0x3F9F] =	sst s1;
	(tag) =	ssettag s2;
	_ =	strace s9  }
0x27: {  	s1 =	sld [smem:$0x3FAF]  }
0x28: {  	s2 =	sld [smem:$0x3FB0]  }
0x29: {  	s4 =	sld [smem:$0x3FB2]  }
0x2a: {  	p0 =	seq.s32 s5, $0x0;
	s5 =	sld [smem:$0x3FB3]  }
0x2b: {  	s6 =	sld [smem:$0x3FB4]  }
0x2c: {  	s7 =	sld [smem:$0x3FB5]  }
0x2d: {  	s3 =	simm.s32 $0x108;
	s8 =	sld [smem:$0x3FB6]  }
0x2e: {  	s3 =	simm.s32 @!p0 $0x1082;
	s9 =	sld [smem:$0x3FB7]  }
0x2f: {  	lr =	sadd.s32 s0, s3;
	s0 =	sld [smem:$0x3FAE]  }
0x30: {  	s3 =	sld [smem:$0x3FB1]  }
0x31: {  	[smem:$0x3FBA] =	sst s10  }
0x32: {  	s10 =	sld [smem:$0x3FB8];
	_ =	sdelay $0x3  }
0x33: {  	p0 =	seq.s32 s10, $0x1;
	s10 =	sld [smem:$0x3FBA];
	_ =	sdelay $0x3  }
0x34: {  	[smem:$0x3FBA] =	sst s10  }
0x35: {  	s10 =	sld [smem:$0x3FB9];
	_ =	sdelay $0x3  }
0x36: {  	p1 =	seq.s32 s10, $0x1;
	s10 =	sld [smem:$0x3FBA];
	_ =	sdelay $0x3  }
0x37: {  	[smem:$0x3FBA] =	sst s10  }
0x38: {  	s10 =	sld [smem:$0x3FBB]  }
0x39: {  	_ = 	snop;
	(pc) =	sbr.ind lr, $3  }
0x3a: {  	_ = 	snop  }
0x3b: {  	_ = 	snop  }
0x3c: {  	p2 =	seq.s32 s10, $0x1;
	s10 =	sld [smem:$0x3FBA]  }
0x3d: {  	_ =	shalt  }
0x3e: {  	_ =	shalt  }
0x3f: {  	_ =	shalt  }
0x40: {  	_ =	shalt  }
0x41: {  	_ =	shalt  }
0x42: {  	_ =	shalt  }
0x43: {  	_ =	shalt  }
0x44: {  	_ =	shalt  }
0x45: {  	_ =	shalt  }
0x46: {  	_ =	shalt  }
0x47: {  	_ =	shalt  }
0x48: {  	_ =	shalt  }
0x49: {  	_ =	shalt  }
0x4a: {  	_ =	shalt  }
0x4b: {  	_ =	shalt  }
0x4c: {  	_ =	shalt  }
0x4d: {  	_ =	shalt  }
0x4e: {  	_ =	shalt  }
0x4f: {  	_ =	shalt  }
0x50: {  	_ =	shalt  }
0x51: {  	_ =	shalt  }
0x52: {  	_ =	shalt  }
0x53: {  	_ =	shalt  }
0x54: {  	_ =	shalt  }
0x55: {  	_ =	shalt  }
0x56: {  	_ =	shalt  }
0x57: {  	_ =	shalt  }
0x58: {  	_ =	shalt  }
0x59: {  	_ =	shalt  }
0x5a: {  	_ =	shalt  }
0x5b: {  	_ =	shalt  }
0x5c: {  	_ =	shalt  }
0x5d: {  	_ =	shalt  }
0x5e: {  	_ =	shalt  }
0x5f: {  	_ =	shalt  }
0x60: {  	_ =	shalt  }
0x61: {  	_ =	shalt  }
0x62: {  	_ =	shalt  }
0x63: {  	_ =	shalt  }
0x64: {  	_ =	shalt  }
0x65: {  	_ =	shalt  }
0x66: {  	_ =	shalt  }
0x67: {  	_ =	shalt  }
0x68: {  	_ =	shalt  }
0x69: {  	_ =	shalt  }
0x6a: {  	_ =	shalt  }
0x6b: {  	_ =	shalt  }
0x6c: {  	_ =	shalt  }
0x6d: {  	_ =	shalt  }
0x6e: {  	_ =	shalt  }
0x6f: {  	_ =	shalt  }
0x70: {  	_ =	shalt  }
0x71: {  	_ =	shalt  }
0x72: {  	_ =	shalt  }
0x73: {  	_ =	shalt  }
0x74: {  	_ =	shalt  }
0x75: {  	_ =	shalt  }
0x76: {  	_ =	shalt  }
0x77: {  	_ =	shalt  }
0x78: {  	_ =	shalt  }
0x79: {  	_ =	shalt  }
0x7a: {  	_ =	shalt  }
0x7b: {  	_ =	shalt  }
0x7c: {  	_ =	shalt  }
0x7d: {  	_ =	shalt  }
0x7e: {  	_ =	shalt  }
0x7f: {  	_ =	shalt  }
0x80: {  	_ =	shalt  }
0x81: {  	_ =	shalt  }
0x82: {  	_ =	shalt  }
0x83: {  	_ =	shalt  }
0x84: {  	_ =	shalt  }
0x85: {  	_ =	shalt  }
0x86: {  	_ =	shalt  }
0x87: {  	_ =	shalt  }
.Lfunc_end0:
.L_simem_size_0:
called_computation.1_lowered:
.L_overlay_start_0:
0x88: {  	s2 =	sld [smem:$0x3FD9]  }
0x89: {  	s3 =	sld [smem:$0x3FFE];
	_ =	sdelay $0x1  }
0x8a: {  	s1 =	srdreg.scid  }
0x8b: {  	s0 =	sand.u32 $0x1, s1  }
0x8c: {  	s17 =	sshll.u32 s0, $0xA;
	s2 =	sadd.s32 s3, s2  }
0x8d: {  	s2 =	sadd.s32 s2, s17  }
0x8e: {  	[smem:$0x3FC6] =	sst s2  }
0x8f: {  	_ = 	snop  }
0x90: {  	s2 =	sld [smem:$0x3FD0];
	(tm) =	ssettm $0x1  }
0x91: {  	s18 =	sld [smem:$0x3FFB];
	_ =	sdelay $0x3  }
0x92: {  	_ =	strace s18  }
0x93: {  	s3 =	sld [smem:$0x3FFC];
	_ =	sdelay $0x3  }
0x94: {  	_ =	strace s3  }
0x95: {  	s3 =	sld [smem:$0x3FFD];
	_ =	sdelay $0x3  }
0x96: {  	_ =	strace s3  }
0x97: {  	_ =	strace $0x8FFFFFFF  }
0x98: {  	s19 =	sld [smem:$0x3FDB];
	_ =	sdelay $0x1  }
0x99: {  	s4 =	simm.s32 $_scs_section_size  }
0x9a: {  	s5 =	simm.s32 $_size__tile_overlayer_lowered;
	s6 =	simm.s32 $_tile_overlayer_lowered  }
0x9b: {  	s22 =	simm.s32 $0x1BFF;
	s21 =	sshll.u32 s6, $0x1;
	s3 =	sadd.s32 s4, s19  }
0x9c: {  	s7 =	simm.s32 $0x0;
	s20 =	sshll.u32 s5, $0x1;
	s5 =	sadd.s32 s21, s3  }
0x9d: {  	[timem:s7], [sflag:s22] =	dma.local [hbm:s5], s20  }
0x9e: {  	_ =	swait.ge [sflag:s22], s20  }
0x9f: {  	s4 =	ssub.s32 $0x0, s20;
	[sflag:s22] =	ssyncset.done $0x0  }
0xa0: {  	[sflag:s22] =	ssyncadd.s32 s4;
	_ =	sdelay $0x1  }
0xa1: {  	s23 =	simm.s32 $0x1B8B  }
0xa2: {  	_ =	swait.ge [sflag:s23], $0x1  }
0xa3: {  	[sflag:s23] =	ssyncset.done $0x0  }
0xa4: {  	s25 =	simm.s32 $0x1B8E;
	s24 =	sld [smem:$0x3FFE];
	[sflag:s23] =	ssyncadd.s32 $0xFFFFFFFF  }
0xa5: {  	s26 =	simm.s32 $execute0_lowered;
	[smem:$0x3FD2] =	sst s25  }
0xa6: {  	s5 =	sshll.u32 s26, $0x1;
	_ =	strace $0x80000046;
	[dreg:$0x1] =	wrdreg $0xFFFFFFFF  }
0xa7: {  	s28 =	simm.s32 $_size_execute0_lowered;
	s3 =	sadd.s32 s3, s5;
	[dreg:$0x0] =	wrdreg $0x0  }
0xa8: {  	s5 =	sshll.u32 s28, $0x1;
	[dreg:$0x2] =	wrdreg s3  }
0xa9: {  	[dreg:$0x3] =	wrdreg s5  }
0xaa: {  	[dreg:$0x4] =	wrdreg $0xC0  }
0xab: {  	_ =	task [dreg:s7], $0x5FFFF  }
0xac: {  	[dreg:$0x1] =	wrdreg $0xFFFFFFFF  }
0xad: {  	[dreg:$0x0] =	wrdreg $0x60  }
0xae: {  	[dreg:$0x2] =	wrdreg s24  }
0xaf: {  	[dreg:$0x3] =	wrdreg s2  }
0xb0: {  	[dreg:$0x4] =	wrdreg $0xA  }
0xb1: {  	_ =	task.clear_ibuf [dreg:s7], $0x5FFFF;
	_ =	strace $0x90000046  }
0xb2: {  	s29 =	simm.s32 $0xA;
	_ =	strace $0x80000048  }
0xb3: {  	_ =	swait.ge [sflag:s29], $0x1  }
0xb4: {  	[sflag:s29] =	ssyncadd.s32 $0xFFFFFFFF  }
0xb5: {  	_ =	strace $0x90000048  }
0xb6: {  	_ =	sfence  }
0xb7: {  	s30 =	sld [smem:$0x0];
	_ =	sdelay $0x2  }
0xb8: {  	s31 =	sshll.u32 s1, $0xD;
	s1 =	sshrl.u32 s1, $0x2  }
0xb9: {  	s3 =	sand.u32 $0x4000, s31;
	s1 =	sadd.s32 s1, s30  }
0xba: {  	s0 =	sor.u32 s3, s0;
	s1 =	sshll.u32 s1, $0x11  }
0xbb: {  	s0 =	sor.u32 s1, s0  }
0xbc: {  	s0 =	sadd.s32 $0x8F2B, s0  }
0xbd: {  	[sflag:s0] =	ssyncadd.remote.s32 $0x1  }
0xbe: {  	_ =	sfence.sel $0xFFFF  }
0xbf: {  	[dreg:$0x0] =	wrdreg $0xFFFFFFFF;
	(pc) =	sbr.abs _section_cstart, $3  }
0xc0: {  	[dreg:$0x1] =	wrdreg $0xFFFFFFFF  }
0xc1: {  	_ =	task.clear_ibuf [dreg:s7], $0x2FFFF;
	_ =	strace $0x9FFFFFFF  }
0xc2: {  	(tm) =	ssettm $0x7FFFFFFF  }
0xc3: {  	_ =	shalt  }
tec
execute0_lowered:
.L_overlay_start_1:
0x0: {  	(tag) =	ssettag $0x1  }
0x1: {  	s1 =	srdreg.scid;
	s3 =	rddreg [dreg:$0x0]  }
0x2: {  	s0 =	stileid.u32;
	s5 =	rddreg [dreg:$0x1]  }
0x3: {  	s2 =	simm.s32 $0x0;
	s9 =	simm.s32 $0x2;
	s10 =	simm.s32 $0x80  }
0x4: {  	s11 =	simm.s32 $0x2000;
	s12 =	simm.s32 $0x3000;
	s13 =	simm.s32 $0x5000  }
0x5: {  	s14 =	simm.s32 $0x1;
	s15 =	simm.s32 $0x0;
	s4 =	sand.u32 $0x1, s1  }
0x6: {  	s6 =	sshll.u32 s0, $0xA;
	s1 =	rddreg [dreg:$0x2];
	s7 =	sshll.u32 s4, $0x9  }
0x7: {  	[smem:$0x7FF] =	sst s2;
	s4 =	ssub.s32 $0x2, s4;
	s6 =	sor.u32 s7, s6  }
0x8: {  	_ =	strace $0x80000047;
	s8 =	sshrl.u32 s4, $0x1;
	s7 =	sshrl.u32 s6, $0x3  }
0x9: {  	s8 =	ssub.s32 s4, s8;
	s6 =	sshll.u32 s6, $0x2;
	s7 =	sadd.s32 s7, s3  }
0xa: {  	s3 =	sadd.s32 $0x1000, s3;
	s5 =	sadd.s32 s5, s6;
	s6 =	smax.u32 s8, $0x1  }
0xb: {  	s8 =	simm.s32 $0x4000;
	s4 =	sadd.s32 $0x61B800, s7;
	s7 =	simm.s32 $0x200  }
.LBB2_1:
0xc: {  	[tilespmem:s2], [sflag:$0x2] =	stream.strided.gather [hbm4b:s4+s7], $0x2000, s8, s7, $0x38;
	[tilespmem:$0x6000] =	vst v63  }
0xd: {  	_ =	swait.ge [sflag:s9], $0x2000  }
0xe: {  	[sflag:s9] =	ssyncset.done $0x0  }
0xf: {  	s16 =	simm.s32 $0x0;
	s17 =	simm.s32 $0x0;
	[sflag:s9] =	ssyncadd.s32 $0xFFFFE000  }
.LBB2_2:
0x10: {  	s18 =	sshrl.u32 s17, $0x2;
	v1 =	vmov s16  }
0x11: {  	s18 =	smul.u32 $0x61A80, s18  }
0x12: {  	s19 =	sand.u32 $0x3, s17  }
0x13: {  	s31 =	sshll.u32 s17, $0x9;
	s19 =	sor.u32 s19, s18  }
0x14: {  	s20 =	simm.s32 $0x40;
	s18 =	sand.u32 $0x3FFFFE00, s31;
	v0 =	vmov s19;
	s19 =	simm.s32 $0x0  }
.LBB2_3:
0x15: {  	p0 =	sne.s32 s20, $0x7C0;
	v2 =	vld.idx.msk [tilespmem:v1+s19+$0x0 ss:$0x1], $0xffff;
	_ =	sdelay $0x3  }
.Ltmp0:
0x16: {  	(pc) =	sbr.rel @p0 .LBB2_3-.Ltmp0, $4  }
0x17: {  	_ = 	snop  }
0x18: {  	v2 =	vshll.u32 v2, $0x2  }
0x19: {  	v2 =	vadd.s32 v0, v2  }
0x1a: {  	[tilespmem:v1+s19+$0x0 ss:$0x1] =	vst.idx.msk $0xffff, v2;
	s19 =	sshra.s32 s20, $0x2;
	s20 =	sadd.s32 $0x40, s20  }
0x1b: {  	_ =	sdelay $0x3  }
0x1c: {  	v2 =	vld.idx.msk [tilespmem:v1+s19+$0x0 ss:$0x1], $0xffff;
	_ =	sdelay $0x4  }
0x1d: {  	v2 =	vshll.u32 v2, $0x2  }
0x1e: {  	v0 =	vadd.s32 v0, v2  }
0x1f: {  	[tilespmem:v1+s19+$0x0 ss:$0x1] =	vst.idx.msk $0xffff, v0  }
0x20: {  	[tilespmem:s11], [sflag:$0x1] =	stream.indirect.gather [hbm4b:s3+s10], $0x20, s18, s10, $0xb8;
	[tilespmem:$0x6000] =	vst v63  }
0x21: {  	s28 =	sadd.s32 $0x80, s18  }
0x22: {  	[tilespmem:s12], [sflag:$0x1] =	stream.indirect.gather [hbm4b:s3+s10], $0x20, s28, s10, $0xb8;
	[tilespmem:$0x6000] =	vst v63  }
0x23: {  	s29 =	sadd.s32 $0x100, s18  }
0x24: {  	[tilespmem:s8], [sflag:$0x1] =	stream.indirect.gather [hbm4b:s3+s10], $0x20, s29, s10, $0xb8;
	[tilespmem:$0x6000] =	vst v63  }
0x25: {  	s30 =	sadd.s32 $0x180, s18  }
0x26: {  	[tilespmem:s13], [sflag:$0x1] =	stream.indirect.gather [hbm4b:s3+s10], $0x20, s30, s10, $0xb8;
	[tilespmem:$0x6000] =	vst v63  }
0x27: {  	_ =	swait.ge [sflag:s14], $0x1000  }
0x28: {  	[sflag:s14] =	ssyncset.done $0x0  }
0x29: {  	[sflag:s14] =	ssyncadd.s32 $0xFFFFF000  }
0x2a: {  	_ =	swait.ge [sflag:s14], $0x1000  }
0x2b: {  	[sflag:s14] =	ssyncset.done $0x0  }
0x2c: {  	[sflag:s14] =	ssyncadd.s32 $0xFFFFF000  }
0x2d: {  	_ =	swait.ge [sflag:s14], $0x1000  }
0x2e: {  	[sflag:s14] =	ssyncset.done $0x0  }
0x2f: {  	[sflag:s14] =	ssyncadd.s32 $0xFFFFF000  }
0x30: {  	s31 =	sshll.u32 s17, $0x10;
	s17 =	sadd.s32 $0x1, s17;
	_ =	swait.ge [sflag:s14], $0x1000  }
0x31: {  	p0 =	sne.s32 s17, $0x10;
	[sflag:s14] =	ssyncset.done $0x0  }
.Ltmp1:
0x32: {  	s18 =	sadd.s32 s31, s5;
	[sflag:s14] =	ssyncadd.s32 $0xFFFFF000;
	(pc) =	sbr.rel @p0 .LBB2_2-.Ltmp1, $4  }
0x33: {  	[hbm4b:s18+s2] =	stream.linear.scatter [tilespmem:s11], [sflag:$0x2], $0x4000, $0x38;
	[tilespmem:$0x6000] =	vst v63  }
0x34: {  	_ =	swait.ge [sflag:s9], $0x4000  }
0x35: {  	[sflag:s9] =	ssyncset.done $0x0  }
0x36: {  	s16 =	sadd.s32 $0x200, s16;
	[sflag:s9] =	ssyncadd.s32 $0xFFFFC000  }
0x37: {  	s15 =	sadd.s32 $0x1, s15  }
0x38: {  	p0 =	sne.s32 s15, s6  }
.Ltmp2:
0x39: {  	_ = 	snop;
	(pc) =	sbr.rel @p0 .LBB2_1-.Ltmp2, $1  }
0x3a: {  	_ =	sdelay $0x3  }
0x3b: {  	_ =	sfence.sel $0x180000  }
0x3c: {  	[bflag:$0x0] =	sbarrier.arrive $0xFFFF  }
0x3d: {  	p0 =	sne.s32 s0, $0x0;
	_ =	strace $0x90000047  }
0x3e: {  	s0 =	sadd.s32 @!p0 $0x100000, s1;
	[bflag:$0x2] =	sbarrier.arrive $0xFFFF  }
0x3f: {  	[sflag:s0] =	ssyncadd.tile.s32 @!p0 $0x1;
	_ =	shalt  }
.Lfunc_end2:
_tile_overlayer_lowered:
.L_overlay_start_2:
0x40: {  	(tag) =	ssettag $0x2  }
0x41: {  	s0 =	rddreg [dreg:$0x0];
	s2 =	stileid.u32  }
0x42: {  	s1 =	rddreg [dreg:$0x1];
	p0 =	sne.s32 s2, $0x0  }
0x43: {  	s3 =	rddreg [dreg:$0x2];
	[bflag:$0x3] =	sbarrier.arrive $0xFFFF;
	s2 =	simm.s32 @!p0 $0x1C02  }
0x44: {  	[timem:s3], [sflag:s2] =	dma.local @!p0 [hbm:s0], s1  }
0x45: {  	s0 =	simm.s32 @!p0 $0x2  }
0x46: {  	_ =	swait.ge @!p0 [sflag:s0], s1  }
0x47: {  	s1 =	ssub.s32 @!p0 $0x0, s1;
	[sflag:s0] =	ssyncset.done @!p0 $0x0  }
0x48: {  	[sflag:s0] =	ssyncadd.s32 @!p0 s1  }
0x49: {  	[bflag:$0x3] =	sbarrier.arrive $0xFFFF  }
0x4a: {  	_ =	shalt  }

// kernel: kernel.9.cloned.1.call-start
scs
__scs_entry_jumppad:
0x0: {  	(pc) =	sbr.rel $0x88, $3  }
0x1: {  	(tag) =	ssettag $0x0;
	lr =	simm.s32 $0x1  }
0x2: {  	[smem:$0x3F9F] =	sst lr;
	_ =	strace $0xD0000000  }
0x3: {  	_ = 	snop  }
0x4: {  	_ = 	snop  }
0x5: {  	_ = 	snop  }
0x6: {  	_ = 	snop  }
0x7: {  	_ = 	snop  }
__scs_overlays_trampoline_lowered:
0x8: {  	[smem:$0x3FAE] =	sst s0  }
0x9: {  	[smem:$0x3FAF] =	sst s1  }
0xa: {  	[smem:$0x3FB0] =	sst s2  }
0xb: {  	[smem:$0x3FB1] =	sst s3  }
0xc: {  	[smem:$0x3FB2] =	sst s4  }
0xd: {  	[smem:$0x3FB3] =	sst s5  }
0xe: {  	[smem:$0x3FB4] =	sst s6  }
0xf: {  	[smem:$0x3FB5] =	sst s7  }
0x10: {  	[smem:$0x3FB6] =	sst s8  }
0x11: {  	[smem:$0x3FB7] =	sst s9;
	s0 =	simm.s32 @!p0 $0x0  }
0x12: {  	s1 =	sld [smem:$0x3F9D];
	s0 =	simm.s32 @p0 $0x1  }
0x13: {  	[smem:$0x3FB8] =	sst s0;
	s0 =	simm.s32 @!p1 $0x0  }
0x14: {  	s2 =	sld [smem:$0x3F9C];
	s0 =	simm.s32 @p1 $0x1  }
0x15: {  	[smem:$0x3FB9] =	sst s0;
	s0 =	simm.s32 @!p2 $0x0  }
0x16: {  	s3 =	sld [smem:$0x3FDB];
	s0 =	simm.s32 @p2 $0x1  }
0x17: {  	s4 =	simm.s32 $0x1BF5;
	[smem:$0x3FBB] =	sst s0  }
0x18: {  	s0 =	sld [smem:$0x3F9E];
	_ =	swait.ge [sflag:s4], $0x0  }
0x19: {  	s7 =	sld [smem:$0x3F9F]  }
0x1a: {  	s8 =	sadd.s32 $0xFFFFE003, lr  }
0x1b: {  	s9 =	sadd.s32 $0xFFFFFEF7, lr;
	s5 =	simm.s32 $0xFFFFFFFF;
	p2 =	slt.u32 s8, $0xFFFFF086  }
0x1c: {  	p1 =	slt.u32 s9, $0xF7A;
	s5 =	simm.s32 @!p2 $0x0  }
0x1d: {  	s5 =	simm.s32 @p1 $0x1;
	p0 =	seq.s32 s7, s2  }
0x1e: {  	s7 =	smul.u32 @!p0 $0xF7A, s2;
	p2 =	seq.s32 @!p0 s5, $0x0  }
0x1f: {  	s9 =	smul.u32 $0xF7A, s1;
	s8 =	simm.s32 @!p0 $0x1BF5;
	p2 =	por !p2, p0  }
0x20: {  	[sflag:s8] =	ssyncset.s32 @!p0 $0xFFFFF086;
	s6 =	sadd.s32 @!p0 s3, s7;
	s7 =	simm.s32 @!p0 $0x108  }
0x21: {  	s3 =	sadd.s32 s3, s9;
	s6 =	sadd.s32 @!p0 $0x88, s6;
	s7 =	simm.s32 @p2 $0x1082  }
0x22: {  	[simem:s7], [sflag:s8] =	dma.local @!p0 [hbm:s6], $0xF7A  }
0x23: {  	s9 =	sor.u32 $0xD0000000, s2;
	s6 =	simm.s32 $0x108;
	_ =	swait.ge @!p0 [sflag:s8], $0x0  }
0x24: {  	s3 =	sadd.s32 $0x88, s3;
	s6 =	simm.s32 @!p1 $0x1082;
	[sflag:s4] =	ssyncset.s32 $0xFFFFF086  }
0x25: {  	[simem:s6], [sflag:s4] =	dma.local [hbm:s3], $0xF7A  }
0x26: {  	[smem:$0x3F9F] =	sst s1;
	(tag) =	ssettag s2;
	_ =	strace s9  }
0x27: {  	s1 =	sld [smem:$0x3FAF]  }
0x28: {  	s2 =	sld [smem:$0x3FB0]  }
0x29: {  	s4 =	sld [smem:$0x3FB2]  }
0x2a: {  	p0 =	seq.s32 s5, $0x0;
	s5 =	sld [smem:$0x3FB3]  }
0x2b: {  	s6 =	sld [smem:$0x3FB4]  }
0x2c: {  	s7 =	sld [smem:$0x3FB5]  }
0x2d: {  	s3 =	simm.s32 $0x108;
	s8 =	sld [smem:$0x3FB6]  }
0x2e: {  	s3 =	simm.s32 @!p0 $0x1082;
	s9 =	sld [smem:$0x3FB7]  }
0x2f: {  	lr =	sadd.s32 s0, s3;
	s0 =	sld [smem:$0x3FAE]  }
0x30: {  	s3 =	sld [smem:$0x3FB1]  }
0x31: {  	[smem:$0x3FBA] =	sst s10  }
0x32: {  	s10 =	sld [smem:$0x3FB8];
	_ =	sdelay $0x3  }
0x33: {  	p0 =	seq.s32 s10, $0x1;
	s10 =	sld [smem:$0x3FBA];
	_ =	sdelay $0x3  }
0x34: {  	[smem:$0x3FBA] =	sst s10  }
0x35: {  	s10 =	sld [smem:$0x3FB9];
	_ =	sdelay $0x3  }
0x36: {  	p1 =	seq.s32 s10, $0x1;
	s10 =	sld [smem:$0x3FBA];
	_ =	sdelay $0x3  }
0x37: {  	[smem:$0x3FBA] =	sst s10  }
0x38: {  	s10 =	sld [smem:$0x3FBB]  }
0x39: {  	_ = 	snop;
	(pc) =	sbr.ind lr, $3  }
0x3a: {  	_ = 	snop  }
0x3b: {  	_ = 	snop  }
0x3c: {  	p2 =	seq.s32 s10, $0x1;
	s10 =	sld [smem:$0x3FBA]  }
0x3d: {  	_ =	shalt  }
0x3e: {  	_ =	shalt  }
0x3f: {  	_ =	shalt  }
0x40: {  	_ =	shalt  }
0x41: {  	_ =	shalt  }
0x42: {  	_ =	shalt  }
0x43: {  	_ =	shalt  }
0x44: {  	_ =	shalt  }
0x45: {  	_ =	shalt  }
0x46: {  	_ =	shalt  }
0x47: {  	_ =	shalt  }
0x48: {  	_ =	shalt  }
0x49: {  	_ =	shalt  }
0x4a: {  	_ =	shalt  }
0x4b: {  	_ =	shalt  }
0x4c: {  	_ =	shalt  }
0x4d: {  	_ =	shalt  }
0x4e: {  	_ =	shalt  }
0x4f: {  	_ =	shalt  }
0x50: {  	_ =	shalt  }
0x51: {  	_ =	shalt  }
0x52: {  	_ =	shalt  }
0x53: {  	_ =	shalt  }
0x54: {  	_ =	shalt  }
0x55: {  	_ =	shalt  }
0x56: {  	_ =	shalt  }
0x57: {  	_ =	shalt  }
0x58: {  	_ =	shalt  }
0x59: {  	_ =	shalt  }
0x5a: {  	_ =	shalt  }
0x5b: {  	_ =	shalt  }
0x5c: {  	_ =	shalt  }
0x5d: {  	_ =	shalt  }
0x5e: {  	_ =	shalt  }
0x5f: {  	_ =	shalt  }
0x60: {  	_ =	shalt  }
0x61: {  	_ =	shalt  }
0x62: {  	_ =	shalt  }
0x63: {  	_ =	shalt  }
0x64: {  	_ =	shalt  }
0x65: {  	_ =	shalt  }
0x66: {  	_ =	shalt  }
0x67: {  	_ =	shalt  }
0x68: {  	_ =	shalt  }
0x69: {  	_ =	shalt  }
0x6a: {  	_ =	shalt  }
0x6b: {  	_ =	shalt  }
0x6c: {  	_ =	shalt  }
0x6d: {  	_ =	shalt  }
0x6e: {  	_ =	shalt  }
0x6f: {  	_ =	shalt  }
0x70: {  	_ =	shalt  }
0x71: {  	_ =	shalt  }
0x72: {  	_ =	shalt  }
0x73: {  	_ =	shalt  }
0x74: {  	_ =	shalt  }
0x75: {  	_ =	shalt  }
0x76: {  	_ =	shalt  }
0x77: {  	_ =	shalt  }
0x78: {  	_ =	shalt  }
0x79: {  	_ =	shalt  }
0x7a: {  	_ =	shalt  }
0x7b: {  	_ =	shalt  }
0x7c: {  	_ =	shalt  }
0x7d: {  	_ =	shalt  }
0x7e: {  	_ =	shalt  }
0x7f: {  	_ =	shalt  }
0x80: {  	_ =	shalt  }
0x81: {  	_ =	shalt  }
0x82: {  	_ =	shalt  }
0x83: {  	_ =	shalt  }
0x84: {  	_ =	shalt  }
0x85: {  	_ =	shalt  }
0x86: {  	_ =	shalt  }
0x87: {  	_ =	shalt  }
.Lfunc_end0:
.L_simem_size_0:
called_computation.2_lowered:
.L_overlay_start_0:
0x88: {  	s2 =	sld [smem:$0x3FD9]  }
0x89: {  	s3 =	sld [smem:$0x3FFE];
	_ =	sdelay $0x1  }
0x8a: {  	s1 =	srdreg.scid  }
0x8b: {  	s0 =	sand.u32 $0x1, s1  }
0x8c: {  	s17 =	sshll.u32 s0, $0xA;
	s2 =	sadd.s32 s3, s2  }
0x8d: {  	s2 =	sadd.s32 s2, s17  }
0x8e: {  	[smem:$0x3FC6] =	sst s2  }
0x8f: {  	_ = 	snop  }
0x90: {  	(tm) =	ssettm $0x1  }
0x91: {  	s18 =	sld [smem:$0x3FFB];
	_ =	sdelay $0x3  }
0x92: {  	_ =	strace s18  }
0x93: {  	s2 =	sld [smem:$0x3FFC];
	_ =	sdelay $0x3  }
0x94: {  	_ =	strace s2  }
0x95: {  	s2 =	sld [smem:$0x3FFD];
	_ =	sdelay $0x3  }
0x96: {  	_ =	strace s2  }
0x97: {  	_ =	strace $0x8FFFFFFF  }
0x98: {  	s19 =	sld [smem:$0x3FDB];
	_ =	sdelay $0x1  }
0x99: {  	s20 =	simm.s32 $_scs_section_size  }
0x9a: {  	s4 =	simm.s32 $_size__tile_overlayer_lowered;
	s5 =	simm.s32 $_tile_overlayer_lowered  }
0x9b: {  	s6 =	simm.s32 $0x1BFF;
	s21 =	sshll.u32 s5, $0x1;
	s3 =	sadd.s32 s20, s19  }
0x9c: {  	s22 =	simm.s32 $0x0;
	s4 =	sshll.u32 s4, $0x1;
	s5 =	sadd.s32 s21, s3  }
0x9d: {  	[timem:s22], [sflag:s6] =	dma.local [hbm:s5], s4  }
0x9e: {  	_ =	swait.ge [sflag:s6], s4  }
0x9f: {  	s4 =	ssub.s32 $0x0, s4;
	[sflag:s6] =	ssyncset.done $0x0  }
0xa0: {  	[sflag:s6] =	ssyncadd.s32 s4;
	_ =	sdelay $0x1  }
0xa1: {  	s23 =	simm.s32 $0x1B8B  }
0xa2: {  	_ =	swait.ge [sflag:s23], $0x1  }
0xa3: {  	[sflag:s23] =	ssyncset.done $0x0  }
0xa4: {  	[sflag:s23] =	ssyncadd.s32 $0xFFFFFFFF  }
0xa5: {  	s4 =	sld [smem:$0x0]  }
0xa6: {  	s5 =	sand.u32 $0xFFFFFFFE, s1  }
0xa7: {  	p0 =	sne.s32 s1, s5  }
0xa8: {  	s5 =	sshll.u32 @p0 s5, $0xE  }
0xa9: {  	s5 =	sadd.s32 @p0 $0x11B8D, s5;
	s6 =	sshll.u32 @p0 s4, $0x11  }
0xaa: {  	s5 =	sor.u32 @p0 s6, s5  }
0xab: {  	[sflag:s5] =	ssyncadd.remote.s32 @p0 $0x1;
	_ =	sdelay $0x1  }
0xac: {  	s5 =	simm.s32 @p0 $0x1B8D  }
0xad: {  	_ =	swait.eq @p0 [sflag:s5], $0x1  }
0xae: {  	[sflag:s5] =	ssyncadd.s32 @p0 $0xFFFFFFFF  }
0xaf: {  	s6 =	sshll.u32 @!p0 s1, $0xE  }
0xb0: {  	s6 =	sor.u32 @!p0 $0x4000, s6;
	s5 =	simm.s32 @!p0 $0x1B8D  }
0xb1: {  	s4 =	sshll.u32 @!p0 s4, $0x11;
	s6 =	sadd.s32 @!p0 $0x11B8D, s6;
	_ =	swait.eq @!p0 [sflag:s5], $0x1  }
0xb2: {  	s4 =	sor.u32 @!p0 s4, s6;
	[sflag:s5] =	ssyncadd.s32 @!p0 $0xFFFFFFFF  }
0xb3: {  	s25 =	simm.s32 $0x1B8E;
	s24 =	sld [smem:$0x3FFE];
	[sflag:s4] =	ssyncadd.remote.s32 @!p0 $0x1  }
0xb4: {  	s26 =	simm.s32 $execute0_lowered;
	[smem:$0x3FD2] =	sst s25  }
0xb5: {  	s5 =	sshll.u32 s26, $0x1;
	_ =	strace $0x80000049;
	[dreg:$0x1] =	wrdreg $0xFFFFFFFF  }
0xb6: {  	s28 =	simm.s32 $_size_execute0_lowered;
	s3 =	sadd.s32 s3, s5;
	[dreg:$0x0] =	wrdreg $0x0  }
0xb7: {  	s5 =	sshll.u32 s28, $0x1;
	[dreg:$0x2] =	wrdreg s3  }
0xb8: {  	[dreg:$0x3] =	wrdreg s5  }
0xb9: {  	[dreg:$0x4] =	wrdreg $0xC0  }
0xba: {  	_ =	task [dreg:s22], $0x5FFFF  }
0xbb: {  	[dreg:$0x1] =	wrdreg $0xFFFFFFFF  }
0xbc: {  	[dreg:$0x0] =	wrdreg $0x60  }
0xbd: {  	[dreg:$0x2] =	wrdreg s24  }
0xbe: {  	[dreg:$0x3] =	wrdreg $0x9  }
0xbf: {  	_ =	task.clear_ibuf [dreg:s22], $0x4FFFF;
	_ =	strace $0x90000049  }
0xc0: {  	s29 =	simm.s32 $0x9;
	_ =	strace $0x8000004B  }
0xc1: {  	_ =	swait.ge [sflag:s29], $0x1  }
0xc2: {  	[sflag:s29] =	ssyncadd.s32 $0xFFFFFFFF  }
0xc3: {  	_ =	strace $0x9000004B  }
0xc4: {  	_ =	sfence  }
0xc5: {  	s30 =	sld [smem:$0x0];
	_ =	sdelay $0x2  }
0xc6: {  	s31 =	sshll.u32 s1, $0xD;
	s1 =	sshrl.u32 s1, $0x2  }
0xc7: {  	s4 =	sand.u32 $0x4000, s31;
	s1 =	sadd.s32 s1, s30  }
0xc8: {  	s0 =	sor.u32 s4, s0;
	s1 =	sshll.u32 s1, $0x11  }
0xc9: {  	s0 =	sor.u32 s1, s0  }
0xca: {  	s0 =	sadd.s32 $0x8F2B, s0  }
0xcb: {  	[sflag:s0] =	ssyncadd.remote.s32 $0x1  }
0xcc: {  	_ =	sfence.sel $0xFFFF  }
0xcd: {  	[dreg:$0x0] =	wrdreg $0xFFFFFFFF;
	(pc) =	sbr.abs _section_cstart, $3  }
0xce: {  	[dreg:$0x1] =	wrdreg $0xFFFFFFFF  }
0xcf: {  	_ =	task.clear_ibuf [dreg:s22], $0x2FFFF;
	_ =	strace $0x9FFFFFFF  }
0xd0: {  	(tm) =	ssettm $0x7FFFFFFF  }
0xd1: {  	_ =	shalt  }
tec
execute0_lowered:
.L_overlay_start_1:
0x0: {  	(tag) =	ssettag $0x1  }
0x1: {  	s1 =	srdreg.scid;
	s0 =	stileid.u32  }
0x2: {  	s4 =	rddreg [dreg:$0x0];
	s2 =	simm.s32 $0x0;
	s9 =	simm.s32 $0x2  }
0x3: {  	s10 =	simm.s32 $0x80;
	s11 =	simm.s32 $0x1400;
	s12 =	simm.s32 $0x2400  }
0x4: {  	s13 =	simm.s32 $0x3400;
	s14 =	simm.s32 $0x4400;
	s15 =	simm.s32 $0x1  }
0x5: {  	s16 =	simm.s32 $0x0;
	s3 =	sand.u32 $0x1, s1;
	s1 =	rddreg [dreg:$0x1]  }
0x6: {  	s5 =	sshll.u32 s0, $0xA;
	[smem:$0x7FF] =	sst s2;
	s6 =	sshll.u32 s3, $0x9  }
0x7: {  	_ =	strace $0x8000004A;
	s7 =	ssub.s32 $0x2, s3;
	s5 =	sor.u32 s6, s5  }
0x8: {  	s3 =	sadd.s32 $0x623800, s4;
	s8 =	sshrl.u32 s7, $0x1;
	s6 =	sshrl.u32 s5, $0x3  }
0x9: {  	s5 =	sshll.u32 s5, $0x2;
	s7 =	ssub.s32 s7, s8;
	s6 =	sadd.s32 s6, s4  }
0xa: {  	s8 =	simm.s32 $0x4000;
	s5 =	sadd.s32 s5, s4;
	s4 =	sadd.s32 $0xAB7600, s6  }
0xb: {  	s5 =	sadd.s32 $0xABC600, s5;
	s6 =	smax.u32 s7, $0x1;
	s7 =	simm.s32 $0x200  }
.LBB2_1:
0xc: {  	[tilespmem:s2], [sflag:$0x2] =	stream.strided.gather [hbm4b:s4+s7], $0x1400, s8, s7, $0x38;
	[tilespmem:$0x5400] =	vst v63  }
0xd: {  	_ =	swait.ge [sflag:s9], $0x1400  }
0xe: {  	[sflag:s9] =	ssyncset.done $0x0  }
0xf: {  	s17 =	simm.s32 $0x0;
	s18 =	simm.s32 $0x0;
	[sflag:s9] =	ssyncadd.s32 $0xFFFFEC00  }
.LBB2_2:
0x10: {  	s19 =	sshrl.u32 s18, $0x2;
	v1 =	vmov s17  }
0x11: {  	s19 =	smul.u32 $0x61A80, s19  }
0x12: {  	s20 =	sand.u32 $0x3, s18  }
0x13: {  	s31 =	sshll.u32 s18, $0x9;
	s20 =	sor.u32 s20, s19  }
0x14: {  	s21 =	simm.s32 $0x40;
	s19 =	sand.u32 $0x3FFFFE00, s31;
	v0 =	vmov s20;
	s20 =	simm.s32 $0x0  }
.LBB2_3:
0x15: {  	p0 =	sne.s32 s21, $0x7C0;
	v2 =	vld.idx.msk [tilespmem:v1+s20+$0x0 ss:$0x1], $0xffff;
	_ =	sdelay $0x3  }
.Ltmp0:
0x16: {  	(pc) =	sbr.rel @p0 .LBB2_3-.Ltmp0, $4  }
0x17: {  	_ = 	snop  }
0x18: {  	v2 =	vshll.u32 v2, $0x2  }
0x19: {  	v2 =	vadd.s32 v0, v2  }
0x1a: {  	[tilespmem:v1+s20+$0x0 ss:$0x1] =	vst.idx.msk $0xffff, v2;
	s20 =	sshra.s32 s21, $0x2;
	s21 =	sadd.s32 $0x40, s21  }
0x1b: {  	_ =	sdelay $0x3  }
0x1c: {  	v2 =	vld.idx.msk [tilespmem:v1+s20+$0x0 ss:$0x1], $0xffff;
	_ =	sdelay $0x4  }
0x1d: {  	v2 =	vshll.u32 v2, $0x2  }
0x1e: {  	v0 =	vadd.s32 v0, v2  }
0x1f: {  	[tilespmem:v1+s20+$0x0 ss:$0x1] =	vst.idx.msk $0xffff, v0  }
0x20: {  	[tilespmem:s11], [sflag:$0x1] =	stream.indirect.gather [hbm4b:s3+s10], $0x20, s19, s10, $0xb8;
	[tilespmem:$0x5400] =	vst v63  }
0x21: {  	s28 =	sadd.s32 $0x80, s19  }
0x22: {  	[tilespmem:s12], [sflag:$0x1] =	stream.indirect.gather [hbm4b:s3+s10], $0x20, s28, s10, $0xb8;
	[tilespmem:$0x5400] =	vst v63  }
0x23: {  	s29 =	sadd.s32 $0x100, s19  }
0x24: {  	[tilespmem:s13], [sflag:$0x1] =	stream.indirect.gather [hbm4b:s3+s10], $0x20, s29, s10, $0xb8;
	[tilespmem:$0x5400] =	vst v63  }
0x25: {  	s30 =	sadd.s32 $0x180, s19  }
0x26: {  	[tilespmem:s14], [sflag:$0x1] =	stream.indirect.gather [hbm4b:s3+s10], $0x20, s30, s10, $0xb8;
	[tilespmem:$0x5400] =	vst v63  }
0x27: {  	_ =	swait.ge [sflag:s15], $0x1000  }
0x28: {  	[sflag:s15] =	ssyncset.done $0x0  }
0x29: {  	[sflag:s15] =	ssyncadd.s32 $0xFFFFF000  }
0x2a: {  	_ =	swait.ge [sflag:s15], $0x1000  }
0x2b: {  	[sflag:s15] =	ssyncset.done $0x0  }
0x2c: {  	[sflag:s15] =	ssyncadd.s32 $0xFFFFF000  }
0x2d: {  	_ =	swait.ge [sflag:s15], $0x1000  }
0x2e: {  	[sflag:s15] =	ssyncset.done $0x0  }
0x2f: {  	[sflag:s15] =	ssyncadd.s32 $0xFFFFF000  }
0x30: {  	s31 =	sshll.u32 s18, $0x10;
	s18 =	sadd.s32 $0x1, s18;
	_ =	swait.ge [sflag:s15], $0x1000  }
0x31: {  	p0 =	sne.s32 s18, $0xA;
	[sflag:s15] =	ssyncset.done $0x0  }
.Ltmp1:
0x32: {  	s19 =	sadd.s32 s31, s5;
	[sflag:s15] =	ssyncadd.s32 $0xFFFFF000;
	(pc) =	sbr.rel @p0 .LBB2_2-.Ltmp1, $4  }
0x33: {  	[hbm4b:s19+s2] =	stream.linear.scatter [tilespmem:s11], [sflag:$0x2], $0x4000, $0x38;
	[tilespmem:$0x5400] =	vst v63  }
0x34: {  	_ =	swait.ge [sflag:s9], $0x4000  }
0x35: {  	[sflag:s9] =	ssyncset.done $0x0  }
0x36: {  	s17 =	sadd.s32 $0x200, s17;
	[sflag:s9] =	ssyncadd.s32 $0xFFFFC000  }
0x37: {  	s16 =	sadd.s32 $0x1, s16  }
0x38: {  	p0 =	sne.s32 s16, s6  }
.Ltmp2:
0x39: {  	_ = 	snop;
	(pc) =	sbr.rel @p0 .LBB2_1-.Ltmp2, $1  }
0x3a: {  	_ =	sdelay $0x3  }
0x3b: {  	_ =	sfence.sel $0x180000  }
0x3c: {  	[bflag:$0x0] =	sbarrier.arrive $0xFFFF  }
0x3d: {  	p0 =	sne.s32 s0, $0x0;
	_ =	strace $0x9000004A  }
0x3e: {  	s0 =	sadd.s32 @!p0 $0x100000, s1;
	[bflag:$0x2] =	sbarrier.arrive $0xFFFF  }
0x3f: {  	[sflag:s0] =	ssyncadd.tile.s32 @!p0 $0x1;
	_ =	shalt  }
.Lfunc_end2:
_tile_overlayer_lowered:
.L_overlay_start_2:
0x40: {  	(tag) =	ssettag $0x2  }
0x41: {  	s0 =	rddreg [dreg:$0x0];
	s2 =	stileid.u32  }
0x42: {  	s1 =	rddreg [dreg:$0x1];
	p0 =	sne.s32 s2, $0x0  }
0x43: {  	s3 =	rddreg [dreg:$0x2];
	[bflag:$0x3] =	sbarrier.arrive $0xFFFF;
	s2 =	simm.s32 @!p0 $0x1C02  }
0x44: {  	[timem:s3], [sflag:s2] =	dma.local @!p0 [hbm:s0], s1  }
0x45: {  	s0 =	simm.s32 @!p0 $0x2  }
0x46: {  	_ =	swait.ge @!p0 [sflag:s0], s1  }
0x47: {  	s1 =	ssub.s32 @!p0 $0x0, s1;
	[sflag:s0] =	ssyncset.done @!p0 $0x0  }
0x48: {  	[sflag:s0] =	ssyncadd.s32 @!p0 s1  }
0x49: {  	[bflag:$0x3] =	sbarrier.arrive $0xFFFF  }
0x4a: {  	_ =	shalt  }

// kernel: sparse-core-data-format-call.cloned.1.call-start
scs
called_computation_lowered:
.L_overlay_start_0:
0x0: {  	s2 =	sld [smem:$0x3FD9]  }
0x1: {  	s3 =	sld [smem:$0x3FFE];
	_ =	sdelay $0x1  }
0x2: {  	s1 =	srdreg.scid  }
0x3: {  	s0 =	sand.u32 $0x1, s1  }
0x4: {  	s18 =	sshll.u32 s0, $0xA;
	s2 =	sadd.s32 s3, s2  }
0x5: {  	s2 =	sadd.s32 s2, s18  }
0x6: {  	[smem:$0x3FC6] =	sst s2  }
0x7: {  	_ = 	snop  }
0x8: {  	(tm) =	ssettm $0x1  }
0x9: {  	s19 =	sld [smem:$0x3FFB];
	_ =	sdelay $0x3  }
0xa: {  	_ =	strace s19  }
0xb: {  	s2 =	sld [smem:$0x3FFC];
	_ =	sdelay $0x3  }
0xc: {  	_ =	strace s2  }
0xd: {  	s2 =	sld [smem:$0x3FFD];
	_ =	sdelay $0x3  }
0xe: {  	_ =	strace s2  }
0xf: {  	_ =	strace $0x8FFFFFFF  }
0x10: {  	s20 =	sld [smem:$0x3FDB];
	_ =	sdelay $0x1  }
0x11: {  	s21 =	simm.s32 $_scs_section_size  }
0x12: {  	s4 =	simm.s32 $_size__tile_overlayer_lowered;
	s5 =	simm.s32 $_tile_overlayer_lowered  }
0x13: {  	s6 =	simm.s32 $0x1BFF;
	s22 =	sshll.u32 s5, $0x1;
	s3 =	sadd.s32 s21, s20  }
0x14: {  	s23 =	simm.s32 $0x0;
	s4 =	sshll.u32 s4, $0x1;
	s5 =	sadd.s32 s22, s3  }
0x15: {  	[timem:s23], [sflag:s6] =	dma.local [hbm:s5], s4  }
0x16: {  	_ =	swait.ge [sflag:s6], s4  }
0x17: {  	s4 =	ssub.s32 $0x0, s4;
	[sflag:s6] =	ssyncset.done $0x0  }
0x18: {  	[sflag:s6] =	ssyncadd.s32 s4;
	_ =	sdelay $0x1  }
0x19: {  	s24 =	simm.s32 $0x1B8B  }
0x1a: {  	_ =	swait.ge [sflag:s24], $0x1  }
0x1b: {  	[sflag:s24] =	ssyncset.done $0x0  }
0x1c: {  	[sflag:s24] =	ssyncadd.s32 $0xFFFFFFFF  }
0x1d: {  	s4 =	sld [smem:$0x0]  }
0x1e: {  	s5 =	sand.u32 $0xFFFFFFFE, s1  }
0x1f: {  	p0 =	sne.s32 s1, s5  }
0x20: {  	s5 =	sshll.u32 @p0 s5, $0xE  }
0x21: {  	s5 =	sadd.s32 @p0 $0x11B8D, s5;
	s6 =	sshll.u32 @p0 s4, $0x11  }
0x22: {  	s5 =	sor.u32 @p0 s6, s5  }
0x23: {  	[sflag:s5] =	ssyncadd.remote.s32 @p0 $0x1;
	_ =	sdelay $0x1  }
0x24: {  	s5 =	simm.s32 @p0 $0x1B8D  }
0x25: {  	_ =	swait.eq @p0 [sflag:s5], $0x1  }
0x26: {  	[sflag:s5] =	ssyncadd.s32 @p0 $0xFFFFFFFF  }
0x27: {  	s6 =	sshll.u32 @!p0 s1, $0xE  }
0x28: {  	s6 =	sor.u32 @!p0 $0x4000, s6;
	s5 =	simm.s32 @!p0 $0x1B8D  }
0x29: {  	s4 =	sshll.u32 @!p0 s4, $0x11;
	s6 =	sadd.s32 @!p0 $0x11B8D, s6;
	_ =	swait.eq @!p0 [sflag:s5], $0x1  }
0x2a: {  	s4 =	sor.u32 @!p0 s4, s6;
	[sflag:s5] =	ssyncadd.s32 @!p0 $0xFFFFFFFF  }
0x2b: {  	s26 =	simm.s32 $0x1B8E;
	s25 =	sld [smem:$0x3FFE];
	[sflag:s4] =	ssyncadd.remote.s32 @!p0 $0x1  }
0x2c: {  	s27 =	simm.s32 $execute0_lowered;
	[smem:$0x3FD2] =	sst s26  }
0x2d: {  	s5 =	sshll.u32 s27, $0x1;
	_ =	strace $0x8000004C;
	[dreg:$0x1] =	wrdreg $0xFFFFFFFF  }
0x2e: {  	s28 =	simm.s32 $_size_execute0_lowered;
	s3 =	sadd.s32 s3, s5;
	[dreg:$0x0] =	wrdreg $0x0  }
0x2f: {  	s5 =	sshll.u32 s28, $0x1;
	[dreg:$0x2] =	wrdreg s3  }
0x30: {  	[dreg:$0x3] =	wrdreg s5  }
0x31: {  	[dreg:$0x4] =	wrdreg $0xC0  }
0x32: {  	_ =	task [dreg:s23], $0x5FFFF  }
0x33: {  	[dreg:$0x1] =	wrdreg $0xFFFFFFFF  }
0x34: {  	[dreg:$0x0] =	wrdreg $0x60  }
0x35: {  	[dreg:$0x2] =	wrdreg s25  }
0x36: {  	[dreg:$0x3] =	wrdreg $0xA  }
0x37: {  	_ =	task.clear_ibuf [dreg:s23], $0x4FFFF;
	_ =	strace $0x9000004C  }
0x38: {  	s29 =	simm.s32 $0xA;
	_ =	strace $0x8000004E  }
0x39: {  	_ =	swait.ge [sflag:s29], $0x1  }
0x3a: {  	[sflag:s29] =	ssyncadd.s32 $0xFFFFFFFF  }
0x3b: {  	_ =	strace $0x9000004E  }
0x3c: {  	_ =	sfence  }
0x3d: {  	s30 =	sld [smem:$0x0];
	_ =	sdelay $0x2  }
0x3e: {  	s31 =	sshll.u32 s1, $0xD;
	s1 =	sshrl.u32 s1, $0x2  }
0x3f: {  	s4 =	sand.u32 $0x4000, s31;
	s1 =	sadd.s32 s1, s30  }
0x40: {  	s0 =	sor.u32 s4, s0;
	s1 =	sshll.u32 s1, $0x11  }
0x41: {  	s0 =	sor.u32 s1, s0  }
0x42: {  	s0 =	sadd.s32 $0x8F2B, s0  }
0x43: {  	[sflag:s0] =	ssyncadd.remote.s32 $0x1  }
0x44: {  	_ =	sfence.sel $0xFFFF  }
0x45: {  	[dreg:$0x0] =	wrdreg $0xFFFFFFFF;
	(pc) =	sbr.abs _section_cstart, $3  }
0x46: {  	[dreg:$0x1] =	wrdreg $0xFFFFFFFF  }
0x47: {  	_ =	task.clear_ibuf [dreg:s23], $0x2FFFF;
	_ =	strace $0x9FFFFFFF  }
0x48: {  	(tm) =	ssettm $0x7FFFFFFF  }
0x49: {  	_ =	shalt  }
tec
execute0_lowered:
.L_overlay_start_1:
0x0: {  	(tag) =	ssettag $0x1  }
0x1: {  	s10 =	rddreg [dreg:$0x0]  }
0x2: {  	s0 =	rddreg [dreg:$0x1]  }
0x3: {  	_ =	strace $0x8000004D;
	s1 =	stileid.u32;
	s2 =	srdreg.scid  }
0x4: {  	s11 =	simm.s32 $0x2;
	s16 =	simm.s32 $0x0;
	s12 =	simm.s32 $0x20000  }
0x5: {  	s17 =	simm.s32 $0x0;
	s15 =	simm.s32 $0x0;
	s3 =	sshll.u32 s1, $0x2  }
0x6: {  	s4 =	sshll.u32 s1, $0x5;
	s5 =	sshll.u32 s2, $0x9;
	s2 =	sadd.s32 $0x1000, s10  }
0x7: {  	s3 =	sand.u32 $0xC, s3;
	s4 =	sor.u32 s4, s5;
	s5 =	simm.s32 $0x1  }
0x8: {  	s4 =	sand.u32 $0x380, s4;
	s6 =	ssub.s32 $0x10, s3;
	[sflag:s5] =	ssyncpa.u1 $0x0  }
0x9: {  	s7 =	sand.u32 $0xC, s6;
	s8 =	ssub.s32 $0x4000, s4;
	s6 =	sshrl.u32 s6, $0x4  }
0xa: {  	p0 =	sne.s32 s7, $0x0;
	s7 =	simm.s32 $0x1;
	s9 =	sand.u32 $0x380, s8  }
0xb: {  	s7 =	simm.s32 @!p0 $0x0;
	p0 =	sne.s32 s9, $0x0;
	s9 =	simm.s32 $0x1  }
.Ltmp0:
0xc: {  	s8 =	sshrl.u32 s8, $0xA;
	s9 =	simm.s32 @!p0 $0x0;
	(pc) =	sbr.rel .LBB1_1-.Ltmp0, $4  }
0xd: {  	s14 =	smov.u32 s3;
	s7 =	sadd.s32 s7, s6;
	s8 =	sadd.s32 s9, s8  }
0xe: {  	[sflag:s11] =	ssyncpa.u1 $0x0;
	s13 =	smov.u32 s4;
	s7 =	smul.u32 s7, s8  }
0xf: {  	s6 =	sadd.s32 $0x401000, s10;
	p0 =	por $0x0, $0x0;
	s9 =	sadd.s32 $0x81000, s10  }
0x10: {  	s8 =	sadd.s32 $0x41000, s10;
	s10 =	sadd.s32 $0xC1000, s10;
	s11 =	sadd.s32 $0x1, s7  }
.LBB1_7:
0x11: {  	s18 =	sadd.s32 $0x400, s13  }
0x12: {  	s16 =	sadd.s32 $0x10, s14;
	s20 =	smov.u32 s14;
	p2 =	sgt.s32 s18, $0x3FFF  }
0x13: {  	s20 =	smov.u32 @p2 s16  }
0x14: {  	s18 =	smov.u32 @p2 s4;
	p2 =	sgt.s32 s20, $0xF  }
0x15: {  	s20 =	smov.u32 @p2 s3;
	p2 =	sne.s32 s15, s11  }
.Ltmp1:
0x16: {  	p1 =	slt.u32 s15, $0x2;
	(pc) =	sbr.rel @!p2 .LBB1_8-.Ltmp1, $4  }
0x17: {  	s19 =	simm.s32 @!p1 $0x2  }
0x18: {  	s17 =	smov.u32 s14;
	p0 =	por !p0, !p0;
	_ =	swait.ge @!p1 [sflag:s19], $0x4000  }
0x19: {  	s16 =	smov.u32 s13;
	[sflag:s19] =	ssyncset.done @!p1 $0x0;
	s13 =	smov.u32 s18  }
0x1a: {  	s15 =	sadd.s32 $0x1, s15;
	[sflag:s19] =	ssyncadd.s32 @!p1 $0xFFFFC000;
	s14 =	smov.u32 s20  }
.LBB1_1:
0x1b: {  	p1 =	sge.u32 s15, s7  }
0x1c: {  	s18 =	sxor.u32 @!p1 $0xFFFFFFFF, s15  }
0x1d: {  	s19 =	sshll.u32 @!p1 s14, $0x12;
	s20 =	sshll.u32 @!p1 s13, $0x4;
	s22 =	simm.s32 @!p1 $0x20  }
0x1e: {  	s18 =	sshll.u32 @!p1 s18, $0xE;
	s20 =	sand.u32 @!p1 $0x3FFF0, s20;
	s21 =	sadd.s32 @!p1 s2, s19  }
0x1f: {  	s23 =	simm.s32 @!p1 $0x80;
	s18 =	sand.u32 @!p1 $0x4000, s18;
	s21 =	sadd.s32 @!p1 s20, s21  }
0x20: {  	[tilespmem:s18], [sflag:$0x1] =	stream.strided.gather @!p1 [hbm4b:s21+s22], $0x1000, s23, s22, $0x38;
	[tilespmem:$0x10100] =	vst v63  }
0x21: {  	s21 =	sadd.s32 @!p1 s19, s8  }
0x22: {  	s24 =	sor.u32 @!p1 $0x1000, s18;
	s21 =	sadd.s32 @!p1 s20, s21  }
0x23: {  	[tilespmem:s24], [sflag:$0x1] =	stream.strided.gather @!p1 [hbm4b:s21+s22], $0x1000, s23, s22, $0x38;
	[tilespmem:$0x10100] =	vst v63  }
0x24: {  	s21 =	sadd.s32 @!p1 s19, s9  }
0x25: {  	s24 =	sor.u32 @!p1 $0x2000, s18;
	s19 =	sadd.s32 @!p1 s19, s10;
	s21 =	sadd.s32 @!p1 s20, s21  }
0x26: {  	[tilespmem:s24], [sflag:$0x1] =	stream.strided.gather @!p1 [hbm4b:s21+s22], $0x1000, s23, s22, $0x38;
	[tilespmem:$0x10100] =	vst v63  }
0x27: {  	s31 =	sadd.s32 $0xFFFFFFFF, s15;
	s18 =	sor.u32 @!p1 $0x3000, s18;
	s19 =	sadd.s32 @!p1 s20, s19  }
0x28: {  	[tilespmem:s18], [sflag:$0x1] =	stream.strided.gather @!p1 [hbm4b:s19+s22], $0x1000, s23, s22, $0x38;
	[tilespmem:$0x10100] =	vst v63  }
0x29: {  	p1 =	sge.u32 s31, s7  }
.Ltmp2:
0x2a: {  	_ = 	snop;
	(pc) =	sbr.rel @p1 .LBB1_7-.Ltmp2, $1  }
0x2b: {  	_ =	sdelay $0x3  }
0x2c: {  	s18 =	simm.s32 $0x1;
	s20 =	sand.u32 $0x1, s15  }
0x2d: {  	_ =	swait.ge [sflag:s5], $0x4000;
	s18 =	simm.s32 @!p0 $0x0;
	s21 =	smul.u32 $0x10200, s20  }
0x2e: {  	[sflag:s5] =	ssyncset.done $0x0;
	s19 =	smul.u32 $0x10200, s18  }
0x2f: {  	s18 =	sshll.u32 s18, $0xE;
	[sflag:s5] =	ssyncadd.s32 $0xFFFFC000  }
0x30: {  	s20 =	sor.u32 $0x10, s18;
	s31 =	sshrl.u32 s21, $0x2;
	s19 =	sshrl.u32 s19, $0x2  }
0x31: {  	s21 =	simm.s32 $0x0;
	s18 =	sor.u32 $0x8000, s31;
	s19 =	sor.u32 $0x8000, s19  }
.LBB1_3:
0x32: {  	v1 =	vld [tilespmem:s20+$0x0]  }
0x33: {  	v0 =	vld [tilespmem:s20+$0xFFFFFFF0];
	_ =	sdelay $0x2  }
0x34: {  	s24 =	sadd.s32 $0x0, s19  }
0x35: {  	s22 =	simm.s32 $0x4;
	s23 =	sadd.s32 $0x20, s20;
	[tilespmem:s24+$0x810 ss:$0x81] =	vst.msk $0xffff, v1  }
.LBB1_4:
0x36: {  	v1 =	vld [tilespmem:s23+$0x0];
	p1 =	sne.s32 s22, $0x1FC;
	[tilespmem:s24+$0x0 ss:$0x81] =	vst.msk $0xffff, v0;
	s24 =	smov.u32 s22;
	s22 =	sadd.s32 $0x4, s22  }
.Ltmp3:
0x37: {  	v0 =	vld [tilespmem:s23+$0xFFFFFFF0];
	(pc) =	sbr.rel @p1 .LBB1_4-.Ltmp3, $4  }
0x38: {  	_ = 	snop  }
0x39: {  	s24 =	sshra.s32 s24, $0x2  }
0x3a: {  	s24 =	sadd.s32 s24, s19  }
0x3b: {  	s23 =	sadd.s32 $0x20, s23;
	[tilespmem:s24+$0x810 ss:$0x81] =	vst.msk $0xffff, v1  }
0x3c: {  	s21 =	sadd.s32 $0x1, s21  }
0x3d: {  	p1 =	sne.s32 s21, $0x4  }
.Ltmp4:
0x3e: {  	_ = 	snop;
	(pc) =	sbr.rel @p1 .LBB1_3-.Ltmp4, $2  }
0x3f: {  	_ =	sdelay $0x2  }
0x40: {  	[tilespmem:s24+$0x0 ss:$0x81] =	vst.msk $0xffff, v0;
	s19 =	sadd.s32 $0x1020, s19;
	s20 =	sadd.s32 $0x1000, s20  }
0x41: {  	s19 =	sshll.u32 s16, $0x3;
	s20 =	sand.u32 $0x78, s16;
	s17 =	sshll.u32 s17, $0x10  }
.Ltmp5:
0x42: {  	s30 =	sand.u32 $0xF800, s16;
	s19 =	sand.u32 $0x3C00, s19;
	(pc) =	sbr.rel .LBB1_7-.Ltmp5, $4  }
0x43: {  	s31 =	sand.u32 $0x7, s16;
	s17 =	sadd.s32 s6, s17;
	s19 =	sor.u32 s20, s19  }
0x44: {  	s16 =	sshll.u32 s31, $0x12;
	s17 =	sadd.s32 s30, s17;
	s19 =	sshrl.u32 s19, $0x3  }
0x45: {  	s16 =	sor.u32 $0x400, s16;
	s17 =	sadd.s32 s19, s17  }
0x46: {  	[hbm4b:s17+s16] =	stream.strided.scatter [tilespmem:s18], [sflag:$0x2], $0x4000, s12, s16, $0x20;
	[tilespmem:$0x10100] =	vst v63  }
.LBB1_8:
0x47: {  	_ =	sfence.sel $0x180000  }
0x48: {  	s2 =	simm.s32 $0x1;
	[bflag:$0x0] =	sbarrier.arrive $0xFFFF  }
0x49: {  	s31 =	simm.s32 $0x2;
	[sflag:s2] =	ssyncpa.u1 $0x1  }
0x4a: {  	[sflag:s31] =	ssyncpa.u1 $0x1  }
0x4b: {  	p0 =	sne.s32 s1, $0x0;
	_ =	strace $0x9000004D  }
0x4c: {  	s0 =	sadd.s32 @!p0 $0x100000, s0;
	[bflag:$0x2] =	sbarrier.arrive $0xFFFF  }
0x4d: {  	[sflag:s0] =	ssyncadd.tile.s32 @!p0 $0x1;
	_ =	shalt  }
.Lfunc_end1:
_tile_overlayer_lowered:
.L_overlay_start_2:
0x4e: {  	(tag) =	ssettag $0x2  }
0x4f: {  	s0 =	rddreg [dreg:$0x0];
	s2 =	stileid.u32  }
0x50: {  	s1 =	rddreg [dreg:$0x1];
	p0 =	sne.s32 s2, $0x0  }
0x51: {  	s3 =	rddreg [dreg:$0x2];
	[bflag:$0x3] =	sbarrier.arrive $0xFFFF;
	s2 =	simm.s32 @!p0 $0x1C01  }
0x52: {  	[timem:s3], [sflag:s2] =	dma.local @!p0 [hbm:s0], s1  }
0x53: {  	s0 =	simm.s32 @!p0 $0x1  }
0x54: {  	_ =	swait.ge @!p0 [sflag:s0], s1  }
0x55: {  	s1 =	ssub.s32 @!p0 $0x0, s1;
	[sflag:s0] =	ssyncset.done @!p0 $0x0  }
0x56: {  	[sflag:s0] =	ssyncadd.s32 @!p0 s1  }
0x57: {  	[bflag:$0x3] =	sbarrier.arrive $0xFFFF  }
0x58: {  	_ =	shalt  }

</sc_bundles>
